<compile_context>
chip_gen: v7x
topology: tpu7x:2x2x1
jax: 0.10.2.dev20260603
libtpu: 0.0.44.dev20260713+nightly
codegen_flags: <defaults>
</compile_context>

<pallas_src>
import functools

import jax
import jax.numpy as jnp
from jax import lax
from jax.experimental import pallas as pl
from jax.experimental.pallas import tpu as pltpu
from jax.experimental.pallas import tpu_sc as plsc

_EPS = 1e-12
_TOPK = 10
_SEG = 128
_BLOCK_K = 2048
_L = 16
_NW = 32


def _score_body(q_ref, kt_ref, s_ref, m_ref, qn_ref, *, n_keys, n_blocks):
    b = pl.program_id(0)
    Q = q_ref.shape[0]

    @pl.when(b == 0)
    def _init():
        q = q_ref[...]
        qnorm = jnp.sqrt(jnp.sum(q * q, axis=1, keepdims=True))
        qn_ref[...] = q / (qnorm + _EPS)

    kt = kt_ref[...]
    ss = jnp.sum(kt * kt, axis=0, keepdims=True)
    inv = 1.0 / (jnp.sqrt(ss) + _EPS)
    s = jnp.dot(qn_ref[...], kt * inv, preferred_element_type=jnp.float32)

    col = jax.lax.broadcasted_iota(jnp.int32, (1, _BLOCK_K), 1) + b * _BLOCK_K
    s = jnp.where(col < n_keys, s, -jnp.inf)
    s_ref[...] = s
    m_ref[...] = jnp.max(s.reshape(Q, _BLOCK_K // _SEG, _SEG), axis=2)[None]


def _merge16(es, ei, x, ix):
    xs, ixs = plsc.sort_key_val(x, ix)
    w = es >= xs
    ms = jnp.where(w, es, xs)
    mi = jnp.where(w, ei, ixs)
    ns, ni = plsc.sort_key_val(ms, mi, descending=True)
    return ns, ni


def _sc_topk(m_hbm, sv_hbm, is_hbm, ii_hbm, out_s, out_i,
             m_v, seg_v0, idx_v0, rows_v0, seg_v1, idx_v1, rows_v1,
             os_v, oi_v, is_v, ii_v, sem0, sem1, *, n_seg, q_per_w, seg_off,
             warm):
    wid = lax.axis_index("s") * 2 + lax.axis_index("c")
    q0 = wid * q_per_w
    pltpu.sync_copy(m_hbm.at[pl.ds(q0 * n_seg, q_per_w * n_seg)], m_v)
    if warm:
        pltpu.sync_copy(is_hbm.at[pl.ds(q0 * _L, q_per_w * _L)], is_v)
        pltpu.sync_copy(ii_hbm.at[pl.ds(q0 * _L, q_per_w * _L)], ii_v)
    iota = jax.lax.broadcasted_iota(jnp.int32, (_L,), 0)
    neg = jnp.full((_L,), -jnp.inf, dtype=jnp.float32)
    zero_i = jnp.zeros((_L,), dtype=jnp.int32)
    n_vregs = n_seg // _L

    def scan_query(qi):
        if warm:
            floor = is_v[pl.ds(qi * _L, _L)]
            es_init = jnp.full((_L,), floor[9], jnp.float32)
        else:
            es_init = neg

        def scan_body(v, c):
            es, ei = c
            x = m_v[pl.ds(qi * n_seg + v * _L, _L)]
            thr = jnp.full((_L,), es[9], jnp.float32)
            hit = plsc.all_reduce_population_count(x > thr)[0]
            return lax.cond(
                hit > 0,
                lambda: _merge16(es, ei, x, v * _L + iota),
                lambda: (es, ei))

        return lax.fori_loop(0, n_vregs, scan_body, (es_init, zero_i))

    def issue_gather(qi, ei, seg_ref, idx_ref, rows_ref, sem):
        seg_ref[...] = ei
        idx_ref[...] = (q0 + qi) * n_seg + ei
        return pltpu.async_copy(sv_hbm.at[idx_ref], rows_ref, sem)

    def refine(qi, seg_ref, rows_ref, es):
        if warm:
            f_init = (is_v[pl.ds(qi * _L, _L)], ii_v[pl.ds(qi * _L, _L)])
        else:
            f_init = (neg, zero_i)

        def seg_active(c):
            i, fs, fi = c
            thr = jnp.full((_L,), fs[9], jnp.float32)
            n_act = plsc.all_reduce_population_count(es > thr)[0]
            return jnp.logical_and(i < _L, n_act > i)

        def seg_body(c):
            i, fs, fi = c
            isplat = jnp.broadcast_to(i, (_L,)).astype(jnp.int32)
            base = plsc.load_gather(seg_ref, [isplat]) + seg_off

            def vreg_body(j, c2):
                fs2, fi2 = c2
                row = rows_ref[i, pl.ds(j * _L, _L)]
                gix = base * _SEG + j * _L + iota
                thr = jnp.full((_L,), fs2[9], jnp.float32)
                hit = plsc.all_reduce_population_count(row > thr)[0]
                return lax.cond(
                    hit > 0,
                    lambda: _merge16(fs2, fi2, row, gix),
                    lambda: (fs2, fi2))

            fs, fi = lax.fori_loop(0, _SEG // _L, vreg_body, (fs, fi))
            return i + 1, fs, fi

        _, fs, fi = lax.while_loop(seg_active, seg_body, (0,) + f_init)
        os_v[pl.ds(qi * _L, _L)] = fs
        oi_v[pl.ds(qi * _L, _L)] = fi

    def wait_gather(idx_ref, rows_ref, sem):
        pltpu.make_async_copy(sv_hbm.at[idx_ref], rows_ref, sem).wait()

    def per_pair(t, es1_prev):
        qa = 2 * t
        qb = 2 * t + 1
        es0, ei0 = scan_query(qa)
        issue_gather(qa, ei0, seg_v0, idx_v0, rows_v0, sem0)

        @pl.when(t > 0)
        def _refine_prev_odd():
            wait_gather(idx_v1, rows_v1, sem1)
            refine(qa - 1, seg_v1, rows_v1, es1_prev)

        es1, ei1 = scan_query(qb)
        issue_gather(qb, ei1, seg_v1, idx_v1, rows_v1, sem1)
        wait_gather(idx_v0, rows_v0, sem0)
        refine(qa, seg_v0, rows_v0, es0)
        return es1

    es1_last = lax.fori_loop(0, q_per_w // 2, per_pair, neg)
    wait_gather(idx_v1, rows_v1, sem1)
    refine(q_per_w - 1, seg_v1, rows_v1, es1_last)
    pltpu.sync_copy(os_v, out_s.at[pl.ds(q0 * _L, q_per_w * _L)])
    pltpu.sync_copy(oi_v, out_i.at[pl.ds(q0 * _L, q_per_w * _L)])


def kernel(queries, keys, k):
    del k
    Q, D = queries.shape
    K = keys.shape[0]
    n_blocks = pl.cdiv(K, _BLOCK_K)
    kp = n_blocks * _BLOCK_K
    q_per_w = Q // _NW
    nb1 = n_blocks // 2
    nb2 = n_blocks - nb1
    k1 = nb1 * _BLOCK_K

    keys_t = jnp.pad(keys.T, ((0, 0), (0, kp - K)))

    def stage_a(kt_half, nb, n_keys_local):
        body = functools.partial(
            _score_body, n_keys=n_keys_local, n_blocks=nb)
        return pl.pallas_call(
            body,
            grid=(nb,),
            in_specs=[
                pl.BlockSpec((Q, D), lambda b: (0, 0)),
                pl.BlockSpec((D, _BLOCK_K), lambda b: (0, b)),
            ],
            out_specs=[
                pl.BlockSpec((Q, _BLOCK_K), lambda b: (0, b)),
                pl.BlockSpec((1, Q, _BLOCK_K // _SEG), lambda b: (b, 0, 0)),
            ],
            out_shape=[
                jax.ShapeDtypeStruct((Q, nb * _BLOCK_K), jnp.float32),
                jax.ShapeDtypeStruct((nb, Q, _BLOCK_K // _SEG), jnp.float32),
            ],
            scratch_shapes=[
                pltpu.VMEM((Q, D), jnp.float32),
            ],
        )(queries, kt_half)

    s1, m1 = stage_a(keys_t[:, :k1], nb1, k1)
    s2, m2 = stage_a(keys_t[:, k1:], nb2, K - k1)
    ns1 = k1 // _SEG
    ns2 = (kp - k1) // _SEG

    def sc_call(mf, sv, is_in, ii_in, n_seg, seg_off, warm):
        sc = functools.partial(
            _sc_topk, n_seg=n_seg, q_per_w=q_per_w, seg_off=seg_off,
            warm=warm)
        return pl.kernel(
            sc,
            out_type=[
                jax.ShapeDtypeStruct((Q * _L,), jnp.float32),
                jax.ShapeDtypeStruct((Q * _L,), jnp.int32),
            ],
            mesh=plsc.VectorSubcoreMesh(
                core_axis_name="c", subcore_axis_name="s"),
            compiler_params=pltpu.CompilerParams(needs_layout_passes=False),
            scratch_types=[
                pltpu.VMEM((q_per_w * n_seg,), jnp.float32),
                pltpu.VMEM((_L,), jnp.int32),
                pltpu.VMEM((_L,), jnp.int32),
                pltpu.VMEM((_L, _SEG), jnp.float32),
                pltpu.VMEM((_L,), jnp.int32),
                pltpu.VMEM((_L,), jnp.int32),
                pltpu.VMEM((_L, _SEG), jnp.float32),
                pltpu.VMEM((q_per_w * _L,), jnp.float32),
                pltpu.VMEM((q_per_w * _L,), jnp.int32),
                pltpu.VMEM((q_per_w * _L,), jnp.float32),
                pltpu.VMEM((q_per_w * _L,), jnp.int32),
                pltpu.SemaphoreType.DMA,
                pltpu.SemaphoreType.DMA,
            ],
        )(mf, sv, is_in, ii_in)

    sv1 = s1.reshape(Q * ns1, _SEG)
    mf1 = m1.transpose(1, 0, 2).reshape(Q * ns1)
    sv2 = s2.reshape(Q * ns2, _SEG)
    mf2 = m2.transpose(1, 0, 2).reshape(Q * ns2)

    zf = jnp.zeros((Q * _L,), jnp.float32)
    zi = jnp.zeros((Q * _L,), jnp.int32)
    os1, oi1 = sc_call(mf1, sv1, zf, zi, ns1, 0, warm=False)
    out_s, out_i = sc_call(mf2, sv2, os1, oi1, ns2, ns1, warm=True)

    return (out_s.reshape(Q, _L)[:, :_TOPK],
            out_i.reshape(Q, _L)[:, :_TOPK])

# --- scband reference (transcript-rebuilt; emitter-appended) ---
"""Pipeline reference for scband-tree-43800076485417 (READ-ONLY COPY).

The authoritative reference and input builder live on the scoring server;
editing this copy changes nothing except your own understanding.
"""

import jax, jax.numpy as jnp
import numpy as np


def setup_inputs(seed: int = 0) -> dict:
    key = jax.random.key(seed)
    kq, kk = jax.random.split(key)
    queries = jax.random.normal(kq, (1024, 32), dtype=jnp.float32)
    keys = jax.random.normal(kk, (100000, 32), dtype=jnp.float32)
    return {"queries": queries, "keys": keys, "k": 10}


def reference(queries, keys, k):
    # Core retrieval computation of the Tree index: cosine-similarity scoring of
    # queries against indexed document/leaf embeddings, followed by top-k
    # candidate selection (as done per-node and per-leaf during tree traversal).
    eps = 1e-12
    q_norm = jnp.linalg.norm(queries, axis=-1, keepdims=True)
    k_norm = jnp.linalg.norm(keys, axis=-1, keepdims=True)
    qn = queries / (q_norm + eps)
    kn = keys / (k_norm + eps)
    scores = qn @ kn.T  # [Q, K] similarity matrix
    k_static = 10
    top_scores, top_idx = jax.lax.top_k(scores, k_static)
    k_arr = jnp.asarray(k)
    zero = (k_arr - k_arr).astype(top_idx.dtype)
    top_idx = top_idx + zero
    return top_scores, top_idx

if __name__ == "__main__":
    import jax
    _d = setup_inputs()
    print(jax.jit(kernel)(*tuple(_d.values())))

</pallas_src>

<mosaic_0001>
#map = affine_map<(d0, d1) -> (0)>
#map1 = affine_map<(d0, d1) -> (0, 0)>
module attributes {stable_mosaic.version = 14 : i64} {
  func.func @_sc_topk(%arg0: i32, %arg1: i32, %arg2: memref<393216xf32, #tpu.memory_space<hbm>>, %arg3: memref<393216x128xf32, #tpu.memory_space<hbm>>, %arg4: memref<16384xf32, #tpu.memory_space<hbm>>, %arg5: memref<16384xi32, #tpu.memory_space<hbm>>, %arg6: memref<16384xf32, #tpu.memory_space<hbm>>, %arg7: memref<16384xi32, #tpu.memory_space<hbm>>, %arg8: memref<12288xf32, #tpu.memory_space<vmem>>, %arg9: memref<16xi32, #tpu.memory_space<vmem>>, %arg10: memref<16xi32, #tpu.memory_space<vmem>>, %arg11: memref<16x128xf32, #tpu.memory_space<vmem>>, %arg12: memref<16xi32, #tpu.memory_space<vmem>>, %arg13: memref<16xi32, #tpu.memory_space<vmem>>, %arg14: memref<16x128xf32, #tpu.memory_space<vmem>>, %arg15: memref<512xf32, #tpu.memory_space<vmem>>, %arg16: memref<512xi32, #tpu.memory_space<vmem>>, %arg17: memref<512xf32, #tpu.memory_space<vmem>>, %arg18: memref<512xi32, #tpu.memory_space<vmem>>, %arg19: memref<!tpu.dma_semaphore, #tpu.memory_space<semaphore_mem>>, %arg20: memref<!tpu.dma_semaphore, #tpu.memory_space<semaphore_mem>>) attributes {dimension_semantics = [#tpu.dimension_semantics<core_parallel>, #tpu.dimension_semantics<subcore_parallel>], iteration_bounds = array<i64: 2, 16>, scalar_prefetch = 0 : i64, scratch_operands = 13 : i64, tpu.core_type = #tpu.core_type<sc_vector_subcore>, window_params = [{transform_indices = #map}, {transform_indices = #map1}, {transform_indices = #map}, {transform_indices = #map}, {transform_indices = #map}, {transform_indices = #map}]} {
    %mul3A = arith.constant 2 : i32
    %mul3A_0 = arith.muli %arg1, %mul3A : i32
    %add3A = arith.addi %mul3A_0, %arg0 : i32
    %mul3A_1 = arith.constant 32 : i32
    %mul3A_2 = arith.muli %add3A, %mul3A_1 : i32
    %mul3A_3 = arith.constant 384 : i32
    %mul3A_4 = arith.muli %mul3A_2, %mul3A_3 : i32
    "tpu.region"() ({
      %run_scoped3A = tpu.sem_alloc : memref<!tpu.dma_semaphore, #tpu.memory_space<semaphore_mem>>
      %dma_start3A = tpu.memref_slice %arg2[%mul3A_4] : memref<393216xf32, #tpu.memory_space<hbm>> -> memref<12288xf32, #tpu.memory_space<hbm>>
      %dma_start3A_23 = tpu.memref_slice %arg2[%mul3A_4] : memref<393216xf32, #tpu.memory_space<hbm>> -> memref<12288xf32, #tpu.memory_space<hbm>>
      tpu.enqueue_dma source(%dma_start3A_23 : memref<12288xf32, #tpu.memory_space<hbm>>) target(%arg8 : memref<12288xf32, #tpu.memory_space<vmem>>) target_semaphore(%run_scoped3A : memref<!tpu.dma_semaphore, #tpu.memory_space<semaphore_mem>>)
      %dma_wait3A_24 = tpu.memref_slice %arg2[%mul3A_4] : memref<393216xf32, #tpu.memory_space<hbm>> -> memref<12288xf32, #tpu.memory_space<hbm>>
      %dma_wait3A_25 = tpu.memref_slice %arg2[%mul3A_4] : memref<393216xf32, #tpu.memory_space<hbm>> -> memref<12288xf32, #tpu.memory_space<hbm>>
      tpu.wait_dma2 semaphore(%run_scoped3A : memref<!tpu.dma_semaphore, #tpu.memory_space<semaphore_mem>>) src(%dma_wait3A_25 : memref<12288xf32, #tpu.memory_space<hbm>>) dst(%arg8 : memref<12288xf32, #tpu.memory_space<vmem>>)
      tpu.yield
    }) : () -> ()
    %iota3A = tpu.iota {dimensions = array<i32: 0>} : vector<16xi32>
    %broadcast_in_dim3A = arith.constant 0xFF800000 : f32
    %broadcast_in_dim3A_5 = vector.broadcast %broadcast_in_dim3A : f32 to vector<16xf32>
    %broadcast_in_dim3A_6 = arith.constant 0 : i32
    %broadcast_in_dim3A_7 = vector.broadcast %broadcast_in_dim3A_6 : i32 to vector<16xi32>
    %scan3A = arith.constant 0 : i32
    %scan3A_8 = arith.constant 16 : i32
    %scan3A_9 = arith.addi %scan3A, %scan3A_8 : i32
    %scan3A_10 = arith.constant 1 : i32
    %scan3A_11 = scf.for %scan3A_23 = %scan3A to %scan3A_9 step %scan3A_10 iter_args(%scan3A_24 = %broadcast_in_dim3A_5) -> (vector<16xf32>)  : i32 {
      %mul3A_25 = arith.constant 2 : i32
      %mul3A_26 = arith.muli %mul3A_25, %scan3A_23 : i32
      %mul3A_27 = arith.constant 2 : i32
      %mul3A_28 = arith.muli %mul3A_27, %scan3A_23 : i32
      %add3A_29 = arith.constant 1 : i32
      %add3A_30 = arith.addi %mul3A_28, %add3A_29 : i32
      %scan3A_31 = arith.constant 0 : i32
      %scan3A_32 = arith.constant 24 : i32
      %scan3A_33 = arith.addi %scan3A_31, %scan3A_32 : i32
      %scan3A_34 = arith.constant 1 : i32
      %scan3A_35:2 = scf.for %scan3A_81 = %scan3A_31 to %scan3A_33 step %scan3A_34 iter_args(%scan3A_82 = %broadcast_in_dim3A_5, %scan3A_83 = %broadcast_in_dim3A_7) -> (vector<16xf32>, vector<16xi32>)  : i32 {
        %mul3A_84 = arith.constant 384 : i32
        %mul3A_85 = arith.muli %mul3A_26, %mul3A_84 : i32
        %mul3A_86 = arith.constant 16 : i32
        %mul3A_87 = arith.muli %scan3A_81, %mul3A_86 : i32
        %add3A_88 = arith.addi %mul3A_85, %mul3A_87 : i32
        %get3A = arith.index_cast %add3A_88 : i32 to index
        %get3A_89 = tpu.vector_load %arg8[%get3A] {strides = array<i32>} : memref<12288xf32, #tpu.memory_space<vmem>>, vector<16xf32>,
        %slice3A = vector.extract_strided_slice %scan3A_82 {offsets = [9], sizes = [1], strides = [1]} : vector<16xf32> to vector<1xf32>
        %squeeze3A = vector.extract %slice3A[0] : f32 from vector<1xf32>
        %broadcast_in_dim3A_90 = vector.broadcast %squeeze3A : f32 to vector<16xf32>
        %gt3A_91 = arith.cmpf ogt, %get3A_89, %broadcast_in_dim3A_90 : vector<16xf32>
        %all_reduce_population_count3A = tpu.all_reduce %gt3A_91 {dim = 0 : i64, kind = #tpu.reduction_kind<sum>} : vector<16xi1> -> vector<16xi32>
        %slice3A_92 = vector.extract_strided_slice %all_reduce_population_count3A {offsets = [0], sizes = [1], strides = [1]} : vector<16xi32> to vector<1xi32>
        %squeeze3A_93 = vector.extract %slice3A_92[0] : i32 from vector<1xi32>
        %gt3A_94 = arith.constant 0 : i32
        %gt3A_95 = arith.cmpi sgt, %squeeze3A_93, %gt3A_94 : i32
        %convert_element_type3A_96 = arith.extui %gt3A_95 : i1 to i32
        %cond3A_97 = arith.constant 0 : i32
        %cond3A_98 = arith.cmpi ne, %convert_element_type3A_96, %cond3A_97 : i32
        %cond3A_99:2 = scf.if %cond3A_98 -> (vector<16xf32>, vector<16xi32>) {
          %mul3A_100 = arith.constant 16 : i32
          %mul3A_101 = arith.muli %scan3A_81, %mul3A_100 : i32
          %add3A_102 = vector.broadcast %mul3A_101 : i32 to vector<16xi32>
          %add3A_103 = arith.addi %add3A_102, %iota3A : vector<16xi32>
          %masked_sort3A = arith.constant dense<true> : vector<16xi1>
          %masked_sort3A_104, %masked_sort3A_105, %masked_sort3A_106 = tpu.sort %get3A_89, %add3A_103 masked %masked_sort3A : (vector<16xf32>, vector<16xi32>, vector<16xi1>) -> (vector<16xi1>, vector<16xf32>, vector<16xi32>)
          %ge3A = arith.cmpf oge, %scan3A_82, %masked_sort3A_105 : vector<16xf32>
          %select_n3A = arith.select %ge3A, %scan3A_82, %masked_sort3A_105 : vector<16xi1>, vector<16xf32>
          %select_n3A_107 = arith.select %ge3A, %scan3A_83, %masked_sort3A_106 : vector<16xi1>, vector<16xi32>
          %masked_sort3A_108 = arith.constant dense<true> : vector<16xi1>
          %masked_sort3A_109, %masked_sort3A_110, %masked_sort3A_111 = tpu.sort %select_n3A, %select_n3A_107 masked %masked_sort3A_108 {descending = true} : (vector<16xf32>, vector<16xi32>, vector<16xi1>) -> (vector<16xi1>, vector<16xf32>, vector<16xi32>)
          scf.yield %masked_sort3A_110, %masked_sort3A_111 : vector<16xf32>, vector<16xi32>
        } else {
          scf.yield %scan3A_82, %scan3A_83 : vector<16xf32>, vector<16xi32>
        }
        scf.yield %cond3A_99#0, %cond3A_99#1 : vector<16xf32>, vector<16xi32>
      }
      %scan3A_36 = arith.constant 24 : i32
      %swap3A_37 = arith.constant 0 : index
      %swap3A_38 = tpu.vector_load %arg9[%swap3A_37] {strides = array<i32>} : memref<16xi32, #tpu.memory_space<vmem>>, vector<16xi32>,
      tpu.vector_store %arg9[%swap3A_37], %scan3A_35#1 {strides = array<i32>} : memref<16xi32, #tpu.memory_space<vmem>>, vector<16xi32>,
      %add3A_39 = arith.addi %mul3A_2, %mul3A_26 : i32
      %mul3A_40 = arith.constant 384 : i32
      %mul3A_41 = arith.muli %add3A_39, %mul3A_40 : i32
      %add3A_42 = vector.broadcast %mul3A_41 : i32 to vector<16xi32>
      %add3A_43 = arith.addi %add3A_42, %scan3A_35#1 : vector<16xi32>
      %swap3A_44 = arith.constant 0 : index
      %swap3A_45 = tpu.vector_load %arg10[%swap3A_44] {strides = array<i32>} : memref<16xi32, #tpu.memory_space<vmem>>, vector<16xi32>,
      tpu.vector_store %arg10[%swap3A_44], %add3A_43 {strides = array<i32>} : memref<16xi32, #tpu.memory_space<vmem>>, vector<16xi32>,
      %dma_start3A = arith.constant 0 : i32
      %dma_start3A_46 = arith.constant 0 : i32
      %dma_start3A_47 = tpu.memref_slice %arg3[%dma_start3A, %dma_start3A_46] : memref<393216x128xf32, #tpu.memory_space<hbm>> -> memref<393216x128xf32, #tpu.memory_space<hbm>>
      tpu.enqueue_indirect_dma source(%dma_start3A_47 : memref<393216x128xf32, #tpu.memory_space<hbm>>) target(%arg11 : memref<16x128xf32, #tpu.memory_space<vmem>>) offsets(%arg10 : memref<16xi32, #tpu.memory_space<vmem>>) semaphore(%arg19 : memref<!tpu.dma_semaphore, #tpu.memory_space<semaphore_mem>>)
      %gt3A = arith.constant 0 : i32
      %gt3A_48 = arith.cmpi sgt, %scan3A_23, %gt3A : i32
      %convert_element_type3A = arith.extui %gt3A_48 : i1 to i32
      %cond3A = arith.constant 0 : i32
      %cond3A_49 = arith.cmpi ne, %convert_element_type3A, %cond3A : i32
      scf.if %cond3A_49 {
        %dma_wait3A_81 = arith.constant 0 : i32
        %dma_wait3A_82 = arith.constant 0 : i32
        %dma_wait3A_83 = tpu.memref_slice %arg3[%dma_wait3A_81, %dma_wait3A_82] : memref<393216x128xf32, #tpu.memory_space<hbm>> -> memref<393216x128xf32, #tpu.memory_space<hbm>>
        tpu.wait_indirect_dma semaphore(%arg20 : memref<!tpu.dma_semaphore, #tpu.memory_space<semaphore_mem>>) src(%dma_wait3A_83 : memref<393216x128xf32, #tpu.memory_space<hbm>>) dst(%arg14 : memref<16x128xf32, #tpu.memory_space<vmem>>)
        %sub3A = arith.constant 1 : i32
        %sub3A_84 = arith.subi %mul3A_26, %sub3A : i32
        %while3A_85 = arith.constant 0 : i32
        %while3A_86:3 = scf.while (%while3A_95 = %while3A_85, %while3A_96 = %broadcast_in_dim3A_5, %while3A_97 = %broadcast_in_dim3A_7) : (i32, vector<16xf32>, vector<16xi32>) -> (i32, vector<16xf32>, vector<16xi32>) {
          %slice3A = vector.extract_strided_slice %while3A_96 {offsets = [9], sizes = [1], strides = [1]} : vector<16xf32> to vector<1xf32>
          %squeeze3A = vector.extract %slice3A[0] : f32 from vector<1xf32>
          %broadcast_in_dim3A_98 = vector.broadcast %squeeze3A : f32 to vector<16xf32>
          %gt3A_99 = arith.cmpf ogt, %scan3A_24, %broadcast_in_dim3A_98 : vector<16xf32>
          %all_reduce_population_count3A = tpu.all_reduce %gt3A_99 {dim = 0 : i64, kind = #tpu.reduction_kind<sum>} : vector<16xi1> -> vector<16xi32>
          %slice3A_100 = vector.extract_strided_slice %all_reduce_population_count3A {offsets = [0], sizes = [1], strides = [1]} : vector<16xi32> to vector<1xi32>
          %squeeze3A_101 = vector.extract %slice3A_100[0] : i32 from vector<1xi32>
          %lt3A = arith.constant 16 : i32
          %lt3A_102 = arith.cmpi slt, %while3A_95, %lt3A : i32
          %gt3A_103 = arith.cmpi sgt, %squeeze3A_101, %while3A_95 : i32
          %and3A = arith.andi %lt3A_102, %gt3A_103 : i1
          scf.condition(%and3A) %while3A_95, %while3A_96, %while3A_97 : i32, vector<16xf32>, vector<16xi32>
        } do {
        ^bb0(%while3A_95: i32, %while3A_96: vector<16xf32>, %while3A_97: vector<16xi32>):
          %broadcast_in_dim3A_98 = vector.broadcast %while3A_95 : i32 to vector<16xi32>
          %gather3A = tpu.vector_load_idx %arg12[%broadcast_in_dim3A_98] : memref<16xi32, #tpu.memory_space<vmem>>[vector<16xi32>], vector<16xi32>,
          %add3A_99 = arith.constant 0 : i32
          %add3A_100 = vector.broadcast %add3A_99 : i32 to vector<16xi32>
          %add3A_101 = arith.addi %gather3A, %add3A_100 : vector<16xi32>
          %scan3A_102 = arith.constant 0 : i32
          %scan3A_103 = arith.constant 8 : i32
          %scan3A_104 = arith.addi %scan3A_102, %scan3A_103 : i32
          %scan3A_105 = arith.constant 1 : i32
          %scan3A_106:2 = scf.for %scan3A_110 = %scan3A_102 to %scan3A_104 step %scan3A_105 iter_args(%scan3A_111 = %while3A_96, %scan3A_112 = %while3A_97) -> (vector<16xf32>, vector<16xi32>)  : i32 {
            %mul3A_113 = arith.constant 16 : i32
            %mul3A_114 = arith.muli %scan3A_110, %mul3A_113 : i32
            %get3A = arith.index_cast %while3A_95 : i32 to index
            %get3A_115 = arith.index_cast %mul3A_114 : i32 to index
            %get3A_116 = tpu.vector_load %arg14[%get3A, %get3A_115] {strides = array<i32>} : memref<16x128xf32, #tpu.memory_space<vmem>>, vector<16xf32>,
            %mul3A_117 = arith.constant 128 : i32
            %mul3A_118 = vector.broadcast %mul3A_117 : i32 to vector<16xi32>
            %mul3A_119 = arith.muli %add3A_101, %mul3A_118 : vector<16xi32>
            %mul3A_120 = arith.constant 16 : i32
            %mul3A_121 = arith.muli %scan3A_110, %mul3A_120 : i32
            %add3A_122 = vector.broadcast %mul3A_121 : i32 to vector<16xi32>
            %add3A_123 = arith.addi %mul3A_119, %add3A_122 : vector<16xi32>
            %add3A_124 = arith.addi %add3A_123, %iota3A : vector<16xi32>
            %slice3A = vector.extract_strided_slice %scan3A_111 {offsets = [9], sizes = [1], strides = [1]} : vector<16xf32> to vector<1xf32>
            %squeeze3A = vector.extract %slice3A[0] : f32 from vector<1xf32>
            %broadcast_in_dim3A_125 = vector.broadcast %squeeze3A : f32 to vector<16xf32>
            %gt3A_126 = arith.cmpf ogt, %get3A_116, %broadcast_in_dim3A_125 : vector<16xf32>
            %all_reduce_population_count3A = tpu.all_reduce %gt3A_126 {dim = 0 : i64, kind = #tpu.reduction_kind<sum>} : vector<16xi1> -> vector<16xi32>
            %slice3A_127 = vector.extract_strided_slice %all_reduce_population_count3A {offsets = [0], sizes = [1], strides = [1]} : vector<16xi32> to vector<1xi32>
            %squeeze3A_128 = vector.extract %slice3A_127[0] : i32 from vector<1xi32>
            %gt3A_129 = arith.constant 0 : i32
            %gt3A_130 = arith.cmpi sgt, %squeeze3A_128, %gt3A_129 : i32
            %convert_element_type3A_131 = arith.extui %gt3A_130 : i1 to i32
            %cond3A_132 = arith.constant 0 : i32
            %cond3A_133 = arith.cmpi ne, %convert_element_type3A_131, %cond3A_132 : i32
            %cond3A_134:2 = scf.if %cond3A_133 -> (vector<16xf32>, vector<16xi32>) {
              %masked_sort3A = arith.constant dense<true> : vector<16xi1>
              %masked_sort3A_135, %masked_sort3A_136, %masked_sort3A_137 = tpu.sort %get3A_116, %add3A_124 masked %masked_sort3A : (vector<16xf32>, vector<16xi32>, vector<16xi1>) -> (vector<16xi1>, vector<16xf32>, vector<16xi32>)
              %ge3A = arith.cmpf oge, %scan3A_111, %masked_sort3A_136 : vector<16xf32>
              %select_n3A = arith.select %ge3A, %scan3A_111, %masked_sort3A_136 : vector<16xi1>, vector<16xf32>
              %select_n3A_138 = arith.select %ge3A, %scan3A_112, %masked_sort3A_137 : vector<16xi1>, vector<16xi32>
              %masked_sort3A_139 = arith.constant dense<true> : vector<16xi1>
              %masked_sort3A_140, %masked_sort3A_141, %masked_sort3A_142 = tpu.sort %select_n3A, %select_n3A_138 masked %masked_sort3A_139 {descending = true} : (vector<16xf32>, vector<16xi32>, vector<16xi1>) -> (vector<16xi1>, vector<16xf32>, vector<16xi32>)
              scf.yield %masked_sort3A_141, %masked_sort3A_142 : vector<16xf32>, vector<16xi32>
            } else {
              scf.yield %scan3A_111, %scan3A_112 : vector<16xf32>, vector<16xi32>
            }
            scf.yield %cond3A_134#0, %cond3A_134#1 : vector<16xf32>, vector<16xi32>
          }
          %scan3A_107 = arith.constant 8 : i32
          %add3A_108 = arith.constant 1 : i32
          %add3A_109 = arith.addi %while3A_95, %add3A_108 : i32
          scf.yield %add3A_109, %scan3A_106#0, %scan3A_106#1 : i32, vector<16xf32>, vector<16xi32>
        }
        %mul3A_87 = arith.constant 16 : i32
        %mul3A_88 = arith.muli %sub3A_84, %mul3A_87 : i32
        %swap3A_89 = arith.index_cast %mul3A_88 : i32 to index
        %swap3A_90 = tpu.vector_load %arg15[%swap3A_89] {strides = array<i32>} : memref<512xf32, #tpu.memory_space<vmem>>, vector<16xf32>,
        tpu.vector_store %arg15[%swap3A_89], %while3A_86#1 {strides = array<i32>} : memref<512xf32, #tpu.memory_space<vmem>>, vector<16xf32>,
        %mul3A_91 = arith.constant 16 : i32
        %mul3A_92 = arith.muli %sub3A_84, %mul3A_91 : i32
        %swap3A_93 = arith.index_cast %mul3A_92 : i32 to index
        %swap3A_94 = tpu.vector_load %arg16[%swap3A_93] {strides = array<i32>} : memref<512xi32, #tpu.memory_space<vmem>>, vector<16xi32>,
        tpu.vector_store %arg16[%swap3A_93], %while3A_86#2 {strides = array<i32>} : memref<512xi32, #tpu.memory_space<vmem>>, vector<16xi32>,
      } else {
      }
      %scan3A_50 = arith.constant 0 : i32
      %scan3A_51 = arith.constant 24 : i32
      %scan3A_52 = arith.addi %scan3A_50, %scan3A_51 : i32
      %scan3A_53 = arith.constant 1 : i32
      %scan3A_54:2 = scf.for %scan3A_81 = %scan3A_50 to %scan3A_52 step %scan3A_53 iter_args(%scan3A_82 = %broadcast_in_dim3A_5, %scan3A_83 = %broadcast_in_dim3A_7) -> (vector<16xf32>, vector<16xi32>)  : i32 {
        %mul3A_84 = arith.constant 384 : i32
        %mul3A_85 = arith.muli %add3A_30, %mul3A_84 : i32
        %mul3A_86 = arith.constant 16 : i32
        %mul3A_87 = arith.muli %scan3A_81, %mul3A_86 : i32
        %add3A_88 = arith.addi %mul3A_85, %mul3A_87 : i32
        %get3A = arith.index_cast %add3A_88 : i32 to index
        %get3A_89 = tpu.vector_load %arg8[%get3A] {strides = array<i32>} : memref<12288xf32, #tpu.memory_space<vmem>>, vector<16xf32>,
        %slice3A = vector.extract_strided_slice %scan3A_82 {offsets = [9], sizes = [1], strides = [1]} : vector<16xf32> to vector<1xf32>
        %squeeze3A = vector.extract %slice3A[0] : f32 from vector<1xf32>
        %broadcast_in_dim3A_90 = vector.broadcast %squeeze3A : f32 to vector<16xf32>
        %gt3A_91 = arith.cmpf ogt, %get3A_89, %broadcast_in_dim3A_90 : vector<16xf32>
        %all_reduce_population_count3A = tpu.all_reduce %gt3A_91 {dim = 0 : i64, kind = #tpu.reduction_kind<sum>} : vector<16xi1> -> vector<16xi32>
        %slice3A_92 = vector.extract_strided_slice %all_reduce_population_count3A {offsets = [0], sizes = [1], strides = [1]} : vector<16xi32> to vector<1xi32>
        %squeeze3A_93 = vector.extract %slice3A_92[0] : i32 from vector<1xi32>
        %gt3A_94 = arith.constant 0 : i32
        %gt3A_95 = arith.cmpi sgt, %squeeze3A_93, %gt3A_94 : i32
        %convert_element_type3A_96 = arith.extui %gt3A_95 : i1 to i32
        %cond3A_97 = arith.constant 0 : i32
        %cond3A_98 = arith.cmpi ne, %convert_element_type3A_96, %cond3A_97 : i32
        %cond3A_99:2 = scf.if %cond3A_98 -> (vector<16xf32>, vector<16xi32>) {
          %mul3A_100 = arith.constant 16 : i32
          %mul3A_101 = arith.muli %scan3A_81, %mul3A_100 : i32
          %add3A_102 = vector.broadcast %mul3A_101 : i32 to vector<16xi32>
          %add3A_103 = arith.addi %add3A_102, %iota3A : vector<16xi32>
          %masked_sort3A = arith.constant dense<true> : vector<16xi1>
          %masked_sort3A_104, %masked_sort3A_105, %masked_sort3A_106 = tpu.sort %get3A_89, %add3A_103 masked %masked_sort3A : (vector<16xf32>, vector<16xi32>, vector<16xi1>) -> (vector<16xi1>, vector<16xf32>, vector<16xi32>)
          %ge3A = arith.cmpf oge, %scan3A_82, %masked_sort3A_105 : vector<16xf32>
          %select_n3A = arith.select %ge3A, %scan3A_82, %masked_sort3A_105 : vector<16xi1>, vector<16xf32>
          %select_n3A_107 = arith.select %ge3A, %scan3A_83, %masked_sort3A_106 : vector<16xi1>, vector<16xi32>
          %masked_sort3A_108 = arith.constant dense<true> : vector<16xi1>
          %masked_sort3A_109, %masked_sort3A_110, %masked_sort3A_111 = tpu.sort %select_n3A, %select_n3A_107 masked %masked_sort3A_108 {descending = true} : (vector<16xf32>, vector<16xi32>, vector<16xi1>) -> (vector<16xi1>, vector<16xf32>, vector<16xi32>)
          scf.yield %masked_sort3A_110, %masked_sort3A_111 : vector<16xf32>, vector<16xi32>
        } else {
          scf.yield %scan3A_82, %scan3A_83 : vector<16xf32>, vector<16xi32>
        }
        scf.yield %cond3A_99#0, %cond3A_99#1 : vector<16xf32>, vector<16xi32>
      }
      %scan3A_55 = arith.constant 24 : i32
      %swap3A_56 = arith.constant 0 : index
      %swap3A_57 = tpu.vector_load %arg12[%swap3A_56] {strides = array<i32>} : memref<16xi32, #tpu.memory_space<vmem>>, vector<16xi32>,
      tpu.vector_store %arg12[%swap3A_56], %scan3A_54#1 {strides = array<i32>} : memref<16xi32, #tpu.memory_space<vmem>>, vector<16xi32>,
      %add3A_58 = arith.addi %mul3A_2, %add3A_30 : i32
      %mul3A_59 = arith.constant 384 : i32
      %mul3A_60 = arith.muli %add3A_58, %mul3A_59 : i32
      %add3A_61 = vector.broadcast %mul3A_60 : i32 to vector<16xi32>
      %add3A_62 = arith.addi %add3A_61, %scan3A_54#1 : vector<16xi32>
      %swap3A_63 = arith.constant 0 : index
      %swap3A_64 = tpu.vector_load %arg13[%swap3A_63] {strides = array<i32>} : memref<16xi32, #tpu.memory_space<vmem>>, vector<16xi32>,
      tpu.vector_store %arg13[%swap3A_63], %add3A_62 {strides = array<i32>} : memref<16xi32, #tpu.memory_space<vmem>>, vector<16xi32>,
      %dma_start3A_65 = arith.constant 0 : i32
      %dma_start3A_66 = arith.constant 0 : i32
      %dma_start3A_67 = tpu.memref_slice %arg3[%dma_start3A_65, %dma_start3A_66] : memref<393216x128xf32, #tpu.memory_space<hbm>> -> memref<393216x128xf32, #tpu.memory_space<hbm>>
      tpu.enqueue_indirect_dma source(%dma_start3A_67 : memref<393216x128xf32, #tpu.memory_space<hbm>>) target(%arg14 : memref<16x128xf32, #tpu.memory_space<vmem>>) offsets(%arg13 : memref<16xi32, #tpu.memory_space<vmem>>) semaphore(%arg20 : memref<!tpu.dma_semaphore, #tpu.memory_space<semaphore_mem>>)
      %dma_wait3A_68 = arith.constant 0 : i32
      %dma_wait3A_69 = arith.constant 0 : i32
      %dma_wait3A_70 = tpu.memref_slice %arg3[%dma_wait3A_68, %dma_wait3A_69] : memref<393216x128xf32, #tpu.memory_space<hbm>> -> memref<393216x128xf32, #tpu.memory_space<hbm>>
      tpu.wait_indirect_dma semaphore(%arg19 : memref<!tpu.dma_semaphore, #tpu.memory_space<semaphore_mem>>) src(%dma_wait3A_70 : memref<393216x128xf32, #tpu.memory_space<hbm>>) dst(%arg11 : memref<16x128xf32, #tpu.memory_space<vmem>>)
      %while3A_71 = arith.constant 0 : i32
      %while3A_72:3 = scf.while (%while3A_81 = %while3A_71, %while3A_82 = %broadcast_in_dim3A_5, %while3A_83 = %broadcast_in_dim3A_7) : (i32, vector<16xf32>, vector<16xi32>) -> (i32, vector<16xf32>, vector<16xi32>) {
        %slice3A = vector.extract_strided_slice %while3A_82 {offsets = [9], sizes = [1], strides = [1]} : vector<16xf32> to vector<1xf32>
        %squeeze3A = vector.extract %slice3A[0] : f32 from vector<1xf32>
        %broadcast_in_dim3A_84 = vector.broadcast %squeeze3A : f32 to vector<16xf32>
        %gt3A_85 = arith.cmpf ogt, %scan3A_35#0, %broadcast_in_dim3A_84 : vector<16xf32>
        %all_reduce_population_count3A = tpu.all_reduce %gt3A_85 {dim = 0 : i64, kind = #tpu.reduction_kind<sum>} : vector<16xi1> -> vector<16xi32>
        %slice3A_86 = vector.extract_strided_slice %all_reduce_population_count3A {offsets = [0], sizes = [1], strides = [1]} : vector<16xi32> to vector<1xi32>
        %squeeze3A_87 = vector.extract %slice3A_86[0] : i32 from vector<1xi32>
        %lt3A = arith.constant 16 : i32
        %lt3A_88 = arith.cmpi slt, %while3A_81, %lt3A : i32
        %gt3A_89 = arith.cmpi sgt, %squeeze3A_87, %while3A_81 : i32
        %and3A = arith.andi %lt3A_88, %gt3A_89 : i1
        scf.condition(%and3A) %while3A_81, %while3A_82, %while3A_83 : i32, vector<16xf32>, vector<16xi32>
      } do {
      ^bb0(%while3A_81: i32, %while3A_82: vector<16xf32>, %while3A_83: vector<16xi32>):
        %broadcast_in_dim3A_84 = vector.broadcast %while3A_81 : i32 to vector<16xi32>
        %gather3A = tpu.vector_load_idx %arg9[%broadcast_in_dim3A_84] : memref<16xi32, #tpu.memory_space<vmem>>[vector<16xi32>], vector<16xi32>,
        %add3A_85 = arith.constant 0 : i32
        %add3A_86 = vector.broadcast %add3A_85 : i32 to vector<16xi32>
        %add3A_87 = arith.addi %gather3A, %add3A_86 : vector<16xi32>
        %scan3A_88 = arith.constant 0 : i32
        %scan3A_89 = arith.constant 8 : i32
        %scan3A_90 = arith.addi %scan3A_88, %scan3A_89 : i32
        %scan3A_91 = arith.constant 1 : i32
        %scan3A_92:2 = scf.for %scan3A_96 = %scan3A_88 to %scan3A_90 step %scan3A_91 iter_args(%scan3A_97 = %while3A_82, %scan3A_98 = %while3A_83) -> (vector<16xf32>, vector<16xi32>)  : i32 {
          %mul3A_99 = arith.constant 16 : i32
          %mul3A_100 = arith.muli %scan3A_96, %mul3A_99 : i32
          %get3A = arith.index_cast %while3A_81 : i32 to index
          %get3A_101 = arith.index_cast %mul3A_100 : i32 to index
          %get3A_102 = tpu.vector_load %arg11[%get3A, %get3A_101] {strides = array<i32>} : memref<16x128xf32, #tpu.memory_space<vmem>>, vector<16xf32>,
          %mul3A_103 = arith.constant 128 : i32
          %mul3A_104 = vector.broadcast %mul3A_103 : i32 to vector<16xi32>
          %mul3A_105 = arith.muli %add3A_87, %mul3A_104 : vector<16xi32>
          %mul3A_106 = arith.constant 16 : i32
          %mul3A_107 = arith.muli %scan3A_96, %mul3A_106 : i32
          %add3A_108 = vector.broadcast %mul3A_107 : i32 to vector<16xi32>
          %add3A_109 = arith.addi %mul3A_105, %add3A_108 : vector<16xi32>
          %add3A_110 = arith.addi %add3A_109, %iota3A : vector<16xi32>
          %slice3A = vector.extract_strided_slice %scan3A_97 {offsets = [9], sizes = [1], strides = [1]} : vector<16xf32> to vector<1xf32>
          %squeeze3A = vector.extract %slice3A[0] : f32 from vector<1xf32>
          %broadcast_in_dim3A_111 = vector.broadcast %squeeze3A : f32 to vector<16xf32>
          %gt3A_112 = arith.cmpf ogt, %get3A_102, %broadcast_in_dim3A_111 : vector<16xf32>
          %all_reduce_population_count3A = tpu.all_reduce %gt3A_112 {dim = 0 : i64, kind = #tpu.reduction_kind<sum>} : vector<16xi1> -> vector<16xi32>
          %slice3A_113 = vector.extract_strided_slice %all_reduce_population_count3A {offsets = [0], sizes = [1], strides = [1]} : vector<16xi32> to vector<1xi32>
          %squeeze3A_114 = vector.extract %slice3A_113[0] : i32 from vector<1xi32>
          %gt3A_115 = arith.constant 0 : i32
          %gt3A_116 = arith.cmpi sgt, %squeeze3A_114, %gt3A_115 : i32
          %convert_element_type3A_117 = arith.extui %gt3A_116 : i1 to i32
          %cond3A_118 = arith.constant 0 : i32
          %cond3A_119 = arith.cmpi ne, %convert_element_type3A_117, %cond3A_118 : i32
          %cond3A_120:2 = scf.if %cond3A_119 -> (vector<16xf32>, vector<16xi32>) {
            %masked_sort3A = arith.constant dense<true> : vector<16xi1>
            %masked_sort3A_121, %masked_sort3A_122, %masked_sort3A_123 = tpu.sort %get3A_102, %add3A_110 masked %masked_sort3A : (vector<16xf32>, vector<16xi32>, vector<16xi1>) -> (vector<16xi1>, vector<16xf32>, vector<16xi32>)
            %ge3A = arith.cmpf oge, %scan3A_97, %masked_sort3A_122 : vector<16xf32>
            %select_n3A = arith.select %ge3A, %scan3A_97, %masked_sort3A_122 : vector<16xi1>, vector<16xf32>
            %select_n3A_124 = arith.select %ge3A, %scan3A_98, %masked_sort3A_123 : vector<16xi1>, vector<16xi32>
            %masked_sort3A_125 = arith.constant dense<true> : vector<16xi1>
            %masked_sort3A_126, %masked_sort3A_127, %masked_sort3A_128 = tpu.sort %select_n3A, %select_n3A_124 masked %masked_sort3A_125 {descending = true} : (vector<16xf32>, vector<16xi32>, vector<16xi1>) -> (vector<16xi1>, vector<16xf32>, vector<16xi32>)
            scf.yield %masked_sort3A_127, %masked_sort3A_128 : vector<16xf32>, vector<16xi32>
          } else {
            scf.yield %scan3A_97, %scan3A_98 : vector<16xf32>, vector<16xi32>
          }
          scf.yield %cond3A_120#0, %cond3A_120#1 : vector<16xf32>, vector<16xi32>
        }
        %scan3A_93 = arith.constant 8 : i32
        %add3A_94 = arith.constant 1 : i32
        %add3A_95 = arith.addi %while3A_81, %add3A_94 : i32
        scf.yield %add3A_95, %scan3A_92#0, %scan3A_92#1 : i32, vector<16xf32>, vector<16xi32>
      }
      %mul3A_73 = arith.constant 16 : i32
      %mul3A_74 = arith.muli %mul3A_26, %mul3A_73 : i32
      %swap3A_75 = arith.index_cast %mul3A_74 : i32 to index
      %swap3A_76 = tpu.vector_load %arg15[%swap3A_75] {strides = array<i32>} : memref<512xf32, #tpu.memory_space<vmem>>, vector<16xf32>,
      tpu.vector_store %arg15[%swap3A_75], %while3A_72#1 {strides = array<i32>} : memref<512xf32, #tpu.memory_space<vmem>>, vector<16xf32>,
      %mul3A_77 = arith.constant 16 : i32
      %mul3A_78 = arith.muli %mul3A_26, %mul3A_77 : i32
      %swap3A_79 = arith.index_cast %mul3A_78 : i32 to index
      %swap3A_80 = tpu.vector_load %arg16[%swap3A_79] {strides = array<i32>} : memref<512xi32, #tpu.memory_space<vmem>>, vector<16xi32>,
      tpu.vector_store %arg16[%swap3A_79], %while3A_72#2 {strides = array<i32>} : memref<512xi32, #tpu.memory_space<vmem>>, vector<16xi32>,
      scf.yield %scan3A_54#0 : vector<16xf32>
    }
    %scan3A_12 = arith.constant 16 : i32
    %dma_wait3A = arith.constant 0 : i32
    %dma_wait3A_13 = arith.constant 0 : i32
    %dma_wait3A_14 = tpu.memref_slice %arg3[%dma_wait3A, %dma_wait3A_13] : memref<393216x128xf32, #tpu.memory_space<hbm>> -> memref<393216x128xf32, #tpu.memory_space<hbm>>
    tpu.wait_indirect_dma semaphore(%arg20 : memref<!tpu.dma_semaphore, #tpu.memory_space<semaphore_mem>>) src(%dma_wait3A_14 : memref<393216x128xf32, #tpu.memory_space<hbm>>) dst(%arg14 : memref<16x128xf32, #tpu.memory_space<vmem>>)
    %while3A = arith.constant 0 : i32
    %while3A_15:3 = scf.while (%while3A_23 = %while3A, %while3A_24 = %broadcast_in_dim3A_5, %while3A_25 = %broadcast_in_dim3A_7) : (i32, vector<16xf32>, vector<16xi32>) -> (i32, vector<16xf32>, vector<16xi32>) {
      %slice3A = vector.extract_strided_slice %while3A_24 {offsets = [9], sizes = [1], strides = [1]} : vector<16xf32> to vector<1xf32>
      %squeeze3A = vector.extract %slice3A[0] : f32 from vector<1xf32>
      %broadcast_in_dim3A_26 = vector.broadcast %squeeze3A : f32 to vector<16xf32>
      %gt3A = arith.cmpf ogt, %scan3A_11, %broadcast_in_dim3A_26 : vector<16xf32>
      %all_reduce_population_count3A = tpu.all_reduce %gt3A {dim = 0 : i64, kind = #tpu.reduction_kind<sum>} : vector<16xi1> -> vector<16xi32>
      %slice3A_27 = vector.extract_strided_slice %all_reduce_population_count3A {offsets = [0], sizes = [1], strides = [1]} : vector<16xi32> to vector<1xi32>
      %squeeze3A_28 = vector.extract %slice3A_27[0] : i32 from vector<1xi32>
      %lt3A = arith.constant 16 : i32
      %lt3A_29 = arith.cmpi slt, %while3A_23, %lt3A : i32
      %gt3A_30 = arith.cmpi sgt, %squeeze3A_28, %while3A_23 : i32
      %and3A = arith.andi %lt3A_29, %gt3A_30 : i1
      scf.condition(%and3A) %while3A_23, %while3A_24, %while3A_25 : i32, vector<16xf32>, vector<16xi32>
    } do {
    ^bb0(%while3A_23: i32, %while3A_24: vector<16xf32>, %while3A_25: vector<16xi32>):
      %broadcast_in_dim3A_26 = vector.broadcast %while3A_23 : i32 to vector<16xi32>
      %gather3A = tpu.vector_load_idx %arg12[%broadcast_in_dim3A_26] : memref<16xi32, #tpu.memory_space<vmem>>[vector<16xi32>], vector<16xi32>,
      %add3A_27 = arith.constant 0 : i32
      %add3A_28 = vector.broadcast %add3A_27 : i32 to vector<16xi32>
      %add3A_29 = arith.addi %gather3A, %add3A_28 : vector<16xi32>
      %scan3A_30 = arith.constant 0 : i32
      %scan3A_31 = arith.constant 8 : i32
      %scan3A_32 = arith.addi %scan3A_30, %scan3A_31 : i32
      %scan3A_33 = arith.constant 1 : i32
      %scan3A_34:2 = scf.for %scan3A_38 = %scan3A_30 to %scan3A_32 step %scan3A_33 iter_args(%scan3A_39 = %while3A_24, %scan3A_40 = %while3A_25) -> (vector<16xf32>, vector<16xi32>)  : i32 {
        %mul3A_41 = arith.constant 16 : i32
        %mul3A_42 = arith.muli %scan3A_38, %mul3A_41 : i32
        %get3A = arith.index_cast %while3A_23 : i32 to index
        %get3A_43 = arith.index_cast %mul3A_42 : i32 to index
        %get3A_44 = tpu.vector_load %arg14[%get3A, %get3A_43] {strides = array<i32>} : memref<16x128xf32, #tpu.memory_space<vmem>>, vector<16xf32>,
        %mul3A_45 = arith.constant 128 : i32
        %mul3A_46 = vector.broadcast %mul3A_45 : i32 to vector<16xi32>
        %mul3A_47 = arith.muli %add3A_29, %mul3A_46 : vector<16xi32>
        %mul3A_48 = arith.constant 16 : i32
        %mul3A_49 = arith.muli %scan3A_38, %mul3A_48 : i32
        %add3A_50 = vector.broadcast %mul3A_49 : i32 to vector<16xi32>
        %add3A_51 = arith.addi %mul3A_47, %add3A_50 : vector<16xi32>
        %add3A_52 = arith.addi %add3A_51, %iota3A : vector<16xi32>
        %slice3A = vector.extract_strided_slice %scan3A_39 {offsets = [9], sizes = [1], strides = [1]} : vector<16xf32> to vector<1xf32>
        %squeeze3A = vector.extract %slice3A[0] : f32 from vector<1xf32>
        %broadcast_in_dim3A_53 = vector.broadcast %squeeze3A : f32 to vector<16xf32>
        %gt3A = arith.cmpf ogt, %get3A_44, %broadcast_in_dim3A_53 : vector<16xf32>
        %all_reduce_population_count3A = tpu.all_reduce %gt3A {dim = 0 : i64, kind = #tpu.reduction_kind<sum>} : vector<16xi1> -> vector<16xi32>
        %slice3A_54 = vector.extract_strided_slice %all_reduce_population_count3A {offsets = [0], sizes = [1], strides = [1]} : vector<16xi32> to vector<1xi32>
        %squeeze3A_55 = vector.extract %slice3A_54[0] : i32 from vector<1xi32>
        %gt3A_56 = arith.constant 0 : i32
        %gt3A_57 = arith.cmpi sgt, %squeeze3A_55, %gt3A_56 : i32
        %convert_element_type3A = arith.extui %gt3A_57 : i1 to i32
        %cond3A = arith.constant 0 : i32
        %cond3A_58 = arith.cmpi ne, %convert_element_type3A, %cond3A : i32
        %cond3A_59:2 = scf.if %cond3A_58 -> (vector<16xf32>, vector<16xi32>) {
          %masked_sort3A = arith.constant dense<true> : vector<16xi1>
          %masked_sort3A_60, %masked_sort3A_61, %masked_sort3A_62 = tpu.sort %get3A_44, %add3A_52 masked %masked_sort3A : (vector<16xf32>, vector<16xi32>, vector<16xi1>) -> (vector<16xi1>, vector<16xf32>, vector<16xi32>)
          %ge3A = arith.cmpf oge, %scan3A_39, %masked_sort3A_61 : vector<16xf32>
          %select_n3A = arith.select %ge3A, %scan3A_39, %masked_sort3A_61 : vector<16xi1>, vector<16xf32>
          %select_n3A_63 = arith.select %ge3A, %scan3A_40, %masked_sort3A_62 : vector<16xi1>, vector<16xi32>
          %masked_sort3A_64 = arith.constant dense<true> : vector<16xi1>
          %masked_sort3A_65, %masked_sort3A_66, %masked_sort3A_67 = tpu.sort %select_n3A, %select_n3A_63 masked %masked_sort3A_64 {descending = true} : (vector<16xf32>, vector<16xi32>, vector<16xi1>) -> (vector<16xi1>, vector<16xf32>, vector<16xi32>)
          scf.yield %masked_sort3A_66, %masked_sort3A_67 : vector<16xf32>, vector<16xi32>
        } else {
          scf.yield %scan3A_39, %scan3A_40 : vector<16xf32>, vector<16xi32>
        }
        scf.yield %cond3A_59#0, %cond3A_59#1 : vector<16xf32>, vector<16xi32>
      }
      %scan3A_35 = arith.constant 8 : i32
      %add3A_36 = arith.constant 1 : i32
      %add3A_37 = arith.addi %while3A_23, %add3A_36 : i32
      scf.yield %add3A_37, %scan3A_34#0, %scan3A_34#1 : i32, vector<16xf32>, vector<16xi32>
    }
    %swap3A = arith.constant 496 : index
    %swap3A_16 = tpu.vector_load %arg15[%swap3A] {strides = array<i32>} : memref<512xf32, #tpu.memory_space<vmem>>, vector<16xf32>,
    tpu.vector_store %arg15[%swap3A], %while3A_15#1 {strides = array<i32>} : memref<512xf32, #tpu.memory_space<vmem>>, vector<16xf32>,
    %swap3A_17 = arith.constant 496 : index
    %swap3A_18 = tpu.vector_load %arg16[%swap3A_17] {strides = array<i32>} : memref<512xi32, #tpu.memory_space<vmem>>, vector<16xi32>,
    tpu.vector_store %arg16[%swap3A_17], %while3A_15#2 {strides = array<i32>} : memref<512xi32, #tpu.memory_space<vmem>>, vector<16xi32>,
    %mul3A_19 = arith.constant 16 : i32
    %mul3A_20 = arith.muli %mul3A_2, %mul3A_19 : i32
    "tpu.region"() ({
      %run_scoped3A = tpu.sem_alloc : memref<!tpu.dma_semaphore, #tpu.memory_space<semaphore_mem>>
      %dma_start3A = tpu.memref_slice %arg6[%mul3A_20] : memref<16384xf32, #tpu.memory_space<hbm>> -> memref<512xf32, #tpu.memory_space<hbm>>
      %dma_start3A_23 = tpu.memref_slice %arg6[%mul3A_20] : memref<16384xf32, #tpu.memory_space<hbm>> -> memref<512xf32, #tpu.memory_space<hbm>>
      tpu.enqueue_dma source(%arg15 : memref<512xf32, #tpu.memory_space<vmem>>) target(%dma_start3A_23 : memref<512xf32, #tpu.memory_space<hbm>>) target_semaphore(%run_scoped3A : memref<!tpu.dma_semaphore, #tpu.memory_space<semaphore_mem>>)
      %dma_wait3A_24 = tpu.memref_slice %arg6[%mul3A_20] : memref<16384xf32, #tpu.memory_space<hbm>> -> memref<512xf32, #tpu.memory_space<hbm>>
      %dma_wait3A_25 = tpu.memref_slice %arg6[%mul3A_20] : memref<16384xf32, #tpu.memory_space<hbm>> -> memref<512xf32, #tpu.memory_space<hbm>>
      tpu.wait_dma2 semaphore(%run_scoped3A : memref<!tpu.dma_semaphore, #tpu.memory_space<semaphore_mem>>) src(%arg15 : memref<512xf32, #tpu.memory_space<vmem>>) dst(%dma_wait3A_25 : memref<512xf32, #tpu.memory_space<hbm>>)
      tpu.yield
    }) : () -> ()
    %mul3A_21 = arith.constant 16 : i32
    %mul3A_22 = arith.muli %mul3A_2, %mul3A_21 : i32
    "tpu.region"() ({
      %run_scoped3A = tpu.sem_alloc : memref<!tpu.dma_semaphore, #tpu.memory_space<semaphore_mem>>
      %dma_start3A = tpu.memref_slice %arg7[%mul3A_22] : memref<16384xi32, #tpu.memory_space<hbm>> -> memref<512xi32, #tpu.memory_space<hbm>>
      %dma_start3A_23 = tpu.memref_slice %arg7[%mul3A_22] : memref<16384xi32, #tpu.memory_space<hbm>> -> memref<512xi32, #tpu.memory_space<hbm>>
      tpu.enqueue_dma source(%arg16 : memref<512xi32, #tpu.memory_space<vmem>>) target(%dma_start3A_23 : memref<512xi32, #tpu.memory_space<hbm>>) target_semaphore(%run_scoped3A : memref<!tpu.dma_semaphore, #tpu.memory_space<semaphore_mem>>)
      %dma_wait3A_24 = tpu.memref_slice %arg7[%mul3A_22] : memref<16384xi32, #tpu.memory_space<hbm>> -> memref<512xi32, #tpu.memory_space<hbm>>
      %dma_wait3A_25 = tpu.memref_slice %arg7[%mul3A_22] : memref<16384xi32, #tpu.memory_space<hbm>> -> memref<512xi32, #tpu.memory_space<hbm>>
      tpu.wait_dma2 semaphore(%run_scoped3A : memref<!tpu.dma_semaphore, #tpu.memory_space<semaphore_mem>>) src(%arg16 : memref<512xi32, #tpu.memory_space<vmem>>) dst(%dma_wait3A_25 : memref<512xi32, #tpu.memory_space<hbm>>)
      tpu.yield
    }) : () -> ()
    return
  }
}

#map = affine_map<(d0, d1) -> (0)>
#map1 = affine_map<(d0, d1) -> (0, 0)>
module attributes {stable_mosaic.version = 14 : i64} {
  func.func @_sc_topk(%arg0: i32, %arg1: i32, %arg2: memref<409600xf32, #tpu.memory_space<hbm>>, %arg3: memref<409600x128xf32, #tpu.memory_space<hbm>>, %arg4: memref<16384xf32, #tpu.memory_space<hbm>>, %arg5: memref<16384xi32, #tpu.memory_space<hbm>>, %arg6: memref<16384xf32, #tpu.memory_space<hbm>>, %arg7: memref<16384xi32, #tpu.memory_space<hbm>>, %arg8: memref<12800xf32, #tpu.memory_space<vmem>>, %arg9: memref<16xi32, #tpu.memory_space<vmem>>, %arg10: memref<16xi32, #tpu.memory_space<vmem>>, %arg11: memref<16x128xf32, #tpu.memory_space<vmem>>, %arg12: memref<16xi32, #tpu.memory_space<vmem>>, %arg13: memref<16xi32, #tpu.memory_space<vmem>>, %arg14: memref<16x128xf32, #tpu.memory_space<vmem>>, %arg15: memref<512xf32, #tpu.memory_space<vmem>>, %arg16: memref<512xi32, #tpu.memory_space<vmem>>, %arg17: memref<512xf32, #tpu.memory_space<vmem>>, %arg18: memref<512xi32, #tpu.memory_space<vmem>>, %arg19: memref<!tpu.dma_semaphore, #tpu.memory_space<semaphore_mem>>, %arg20: memref<!tpu.dma_semaphore, #tpu.memory_space<semaphore_mem>>) attributes {dimension_semantics = [#tpu.dimension_semantics<core_parallel>, #tpu.dimension_semantics<subcore_parallel>], iteration_bounds = array<i64: 2, 16>, scalar_prefetch = 0 : i64, scratch_operands = 13 : i64, tpu.core_type = #tpu.core_type<sc_vector_subcore>, window_params = [{transform_indices = #map}, {transform_indices = #map1}, {transform_indices = #map}, {transform_indices = #map}, {transform_indices = #map}, {transform_indices = #map}]} {
    %mul3A = arith.constant 2 : i32
    %mul3A_0 = arith.muli %arg1, %mul3A : i32
    %add3A = arith.addi %mul3A_0, %arg0 : i32
    %mul3A_1 = arith.constant 32 : i32
    %mul3A_2 = arith.muli %add3A, %mul3A_1 : i32
    %mul3A_3 = arith.constant 400 : i32
    %mul3A_4 = arith.muli %mul3A_2, %mul3A_3 : i32
    "tpu.region"() ({
      %run_scoped3A = tpu.sem_alloc : memref<!tpu.dma_semaphore, #tpu.memory_space<semaphore_mem>>
      %dma_start3A = tpu.memref_slice %arg2[%mul3A_4] : memref<409600xf32, #tpu.memory_space<hbm>> -> memref<12800xf32, #tpu.memory_space<hbm>>
      %dma_start3A_30 = tpu.memref_slice %arg2[%mul3A_4] : memref<409600xf32, #tpu.memory_space<hbm>> -> memref<12800xf32, #tpu.memory_space<hbm>>
      tpu.enqueue_dma source(%dma_start3A_30 : memref<12800xf32, #tpu.memory_space<hbm>>) target(%arg8 : memref<12800xf32, #tpu.memory_space<vmem>>) target_semaphore(%run_scoped3A : memref<!tpu.dma_semaphore, #tpu.memory_space<semaphore_mem>>)
      %dma_wait3A_31 = tpu.memref_slice %arg2[%mul3A_4] : memref<409600xf32, #tpu.memory_space<hbm>> -> memref<12800xf32, #tpu.memory_space<hbm>>
      %dma_wait3A_32 = tpu.memref_slice %arg2[%mul3A_4] : memref<409600xf32, #tpu.memory_space<hbm>> -> memref<12800xf32, #tpu.memory_space<hbm>>
      tpu.wait_dma2 semaphore(%run_scoped3A : memref<!tpu.dma_semaphore, #tpu.memory_space<semaphore_mem>>) src(%dma_wait3A_32 : memref<12800xf32, #tpu.memory_space<hbm>>) dst(%arg8 : memref<12800xf32, #tpu.memory_space<vmem>>)
      tpu.yield
    }) : () -> ()
    %mul3A_5 = arith.constant 16 : i32
    %mul3A_6 = arith.muli %mul3A_2, %mul3A_5 : i32
    "tpu.region"() ({
      %run_scoped3A = tpu.sem_alloc : memref<!tpu.dma_semaphore, #tpu.memory_space<semaphore_mem>>
      %dma_start3A = tpu.memref_slice %arg4[%mul3A_6] : memref<16384xf32, #tpu.memory_space<hbm>> -> memref<512xf32, #tpu.memory_space<hbm>>
      %dma_start3A_30 = tpu.memref_slice %arg4[%mul3A_6] : memref<16384xf32, #tpu.memory_space<hbm>> -> memref<512xf32, #tpu.memory_space<hbm>>
      tpu.enqueue_dma source(%dma_start3A_30 : memref<512xf32, #tpu.memory_space<hbm>>) target(%arg17 : memref<512xf32, #tpu.memory_space<vmem>>) target_semaphore(%run_scoped3A : memref<!tpu.dma_semaphore, #tpu.memory_space<semaphore_mem>>)
      %dma_wait3A_31 = tpu.memref_slice %arg4[%mul3A_6] : memref<16384xf32, #tpu.memory_space<hbm>> -> memref<512xf32, #tpu.memory_space<hbm>>
      %dma_wait3A_32 = tpu.memref_slice %arg4[%mul3A_6] : memref<16384xf32, #tpu.memory_space<hbm>> -> memref<512xf32, #tpu.memory_space<hbm>>
      tpu.wait_dma2 semaphore(%run_scoped3A : memref<!tpu.dma_semaphore, #tpu.memory_space<semaphore_mem>>) src(%dma_wait3A_32 : memref<512xf32, #tpu.memory_space<hbm>>) dst(%arg17 : memref<512xf32, #tpu.memory_space<vmem>>)
      tpu.yield
    }) : () -> ()
    %mul3A_7 = arith.constant 16 : i32
    %mul3A_8 = arith.muli %mul3A_2, %mul3A_7 : i32
    "tpu.region"() ({
      %run_scoped3A = tpu.sem_alloc : memref<!tpu.dma_semaphore, #tpu.memory_space<semaphore_mem>>
      %dma_start3A = tpu.memref_slice %arg5[%mul3A_8] : memref<16384xi32, #tpu.memory_space<hbm>> -> memref<512xi32, #tpu.memory_space<hbm>>
      %dma_start3A_30 = tpu.memref_slice %arg5[%mul3A_8] : memref<16384xi32, #tpu.memory_space<hbm>> -> memref<512xi32, #tpu.memory_space<hbm>>
      tpu.enqueue_dma source(%dma_start3A_30 : memref<512xi32, #tpu.memory_space<hbm>>) target(%arg18 : memref<512xi32, #tpu.memory_space<vmem>>) target_semaphore(%run_scoped3A : memref<!tpu.dma_semaphore, #tpu.memory_space<semaphore_mem>>)
      %dma_wait3A_31 = tpu.memref_slice %arg5[%mul3A_8] : memref<16384xi32, #tpu.memory_space<hbm>> -> memref<512xi32, #tpu.memory_space<hbm>>
      %dma_wait3A_32 = tpu.memref_slice %arg5[%mul3A_8] : memref<16384xi32, #tpu.memory_space<hbm>> -> memref<512xi32, #tpu.memory_space<hbm>>
      tpu.wait_dma2 semaphore(%run_scoped3A : memref<!tpu.dma_semaphore, #tpu.memory_space<semaphore_mem>>) src(%dma_wait3A_32 : memref<512xi32, #tpu.memory_space<hbm>>) dst(%arg18 : memref<512xi32, #tpu.memory_space<vmem>>)
      tpu.yield
    }) : () -> ()
    %iota3A = tpu.iota {dimensions = array<i32: 0>} : vector<16xi32>
    %broadcast_in_dim3A = arith.constant 0xFF800000 : f32
    %broadcast_in_dim3A_9 = vector.broadcast %broadcast_in_dim3A : f32 to vector<16xf32>
    %broadcast_in_dim3A_10 = arith.constant 0 : i32
    %broadcast_in_dim3A_11 = vector.broadcast %broadcast_in_dim3A_10 : i32 to vector<16xi32>
    %scan3A = arith.constant 0 : i32
    %scan3A_12 = arith.constant 16 : i32
    %scan3A_13 = arith.addi %scan3A, %scan3A_12 : i32
    %scan3A_14 = arith.constant 1 : i32
    %scan3A_15 = scf.for %scan3A_30 = %scan3A to %scan3A_13 step %scan3A_14 iter_args(%scan3A_31 = %broadcast_in_dim3A_9) -> (vector<16xf32>)  : i32 {
      %mul3A_32 = arith.constant 2 : i32
      %mul3A_33 = arith.muli %mul3A_32, %scan3A_30 : i32
      %mul3A_34 = arith.constant 2 : i32
      %mul3A_35 = arith.muli %mul3A_34, %scan3A_30 : i32
      %add3A_36 = arith.constant 1 : i32
      %add3A_37 = arith.addi %mul3A_35, %add3A_36 : i32
      %mul3A_38 = arith.constant 16 : i32
      %mul3A_39 = arith.muli %mul3A_33, %mul3A_38 : i32
      %get3A_40 = arith.index_cast %mul3A_39 : i32 to index
      %get3A_41 = tpu.vector_load %arg17[%get3A_40] {strides = array<i32>} : memref<512xf32, #tpu.memory_space<vmem>>, vector<16xf32>,
      %slice3A = vector.extract_strided_slice %get3A_41 {offsets = [9], sizes = [1], strides = [1]} : vector<16xf32> to vector<1xf32>
      %squeeze3A = vector.extract %slice3A[0] : f32 from vector<1xf32>
      %broadcast_in_dim3A_42 = vector.broadcast %squeeze3A : f32 to vector<16xf32>
      %scan3A_43 = arith.constant 0 : i32
      %scan3A_44 = arith.constant 25 : i32
      %scan3A_45 = arith.addi %scan3A_43, %scan3A_44 : i32
      %scan3A_46 = arith.constant 1 : i32
      %scan3A_47:2 = scf.for %scan3A_108 = %scan3A_43 to %scan3A_45 step %scan3A_46 iter_args(%scan3A_109 = %broadcast_in_dim3A_42, %scan3A_110 = %broadcast_in_dim3A_11) -> (vector<16xf32>, vector<16xi32>)  : i32 {
        %mul3A_111 = arith.constant 400 : i32
        %mul3A_112 = arith.muli %mul3A_33, %mul3A_111 : i32
        %mul3A_113 = arith.constant 16 : i32
        %mul3A_114 = arith.muli %scan3A_108, %mul3A_113 : i32
        %add3A_115 = arith.addi %mul3A_112, %mul3A_114 : i32
        %get3A_116 = arith.index_cast %add3A_115 : i32 to index
        %get3A_117 = tpu.vector_load %arg8[%get3A_116] {strides = array<i32>} : memref<12800xf32, #tpu.memory_space<vmem>>, vector<16xf32>,
        %slice3A_118 = vector.extract_strided_slice %scan3A_109 {offsets = [9], sizes = [1], strides = [1]} : vector<16xf32> to vector<1xf32>
        %squeeze3A_119 = vector.extract %slice3A_118[0] : f32 from vector<1xf32>
        %broadcast_in_dim3A_120 = vector.broadcast %squeeze3A_119 : f32 to vector<16xf32>
        %gt3A_121 = arith.cmpf ogt, %get3A_117, %broadcast_in_dim3A_120 : vector<16xf32>
        %all_reduce_population_count3A = tpu.all_reduce %gt3A_121 {dim = 0 : i64, kind = #tpu.reduction_kind<sum>} : vector<16xi1> -> vector<16xi32>
        %slice3A_122 = vector.extract_strided_slice %all_reduce_population_count3A {offsets = [0], sizes = [1], strides = [1]} : vector<16xi32> to vector<1xi32>
        %squeeze3A_123 = vector.extract %slice3A_122[0] : i32 from vector<1xi32>
        %gt3A_124 = arith.constant 0 : i32
        %gt3A_125 = arith.cmpi sgt, %squeeze3A_123, %gt3A_124 : i32
        %convert_element_type3A_126 = arith.extui %gt3A_125 : i1 to i32
        %cond3A_127 = arith.constant 0 : i32
        %cond3A_128 = arith.cmpi ne, %convert_element_type3A_126, %cond3A_127 : i32
        %cond3A_129:2 = scf.if %cond3A_128 -> (vector<16xf32>, vector<16xi32>) {
          %mul3A_130 = arith.constant 16 : i32
          %mul3A_131 = arith.muli %scan3A_108, %mul3A_130 : i32
          %add3A_132 = vector.broadcast %mul3A_131 : i32 to vector<16xi32>
          %add3A_133 = arith.addi %add3A_132, %iota3A : vector<16xi32>
          %masked_sort3A = arith.constant dense<true> : vector<16xi1>
          %masked_sort3A_134, %masked_sort3A_135, %masked_sort3A_136 = tpu.sort %get3A_117, %add3A_133 masked %masked_sort3A : (vector<16xf32>, vector<16xi32>, vector<16xi1>) -> (vector<16xi1>, vector<16xf32>, vector<16xi32>)
          %ge3A = arith.cmpf oge, %scan3A_109, %masked_sort3A_135 : vector<16xf32>
          %select_n3A = arith.select %ge3A, %scan3A_109, %masked_sort3A_135 : vector<16xi1>, vector<16xf32>
          %select_n3A_137 = arith.select %ge3A, %scan3A_110, %masked_sort3A_136 : vector<16xi1>, vector<16xi32>
          %masked_sort3A_138 = arith.constant dense<true> : vector<16xi1>
          %masked_sort3A_139, %masked_sort3A_140, %masked_sort3A_141 = tpu.sort %select_n3A, %select_n3A_137 masked %masked_sort3A_138 {descending = true} : (vector<16xf32>, vector<16xi32>, vector<16xi1>) -> (vector<16xi1>, vector<16xf32>, vector<16xi32>)
          scf.yield %masked_sort3A_140, %masked_sort3A_141 : vector<16xf32>, vector<16xi32>
        } else {
          scf.yield %scan3A_109, %scan3A_110 : vector<16xf32>, vector<16xi32>
        }
        scf.yield %cond3A_129#0, %cond3A_129#1 : vector<16xf32>, vector<16xi32>
      }
      %scan3A_48 = arith.constant 25 : i32
      %swap3A_49 = arith.constant 0 : index
      %swap3A_50 = tpu.vector_load %arg9[%swap3A_49] {strides = array<i32>} : memref<16xi32, #tpu.memory_space<vmem>>, vector<16xi32>,
      tpu.vector_store %arg9[%swap3A_49], %scan3A_47#1 {strides = array<i32>} : memref<16xi32, #tpu.memory_space<vmem>>, vector<16xi32>,
      %add3A_51 = arith.addi %mul3A_2, %mul3A_33 : i32
      %mul3A_52 = arith.constant 400 : i32
      %mul3A_53 = arith.muli %add3A_51, %mul3A_52 : i32
      %add3A_54 = vector.broadcast %mul3A_53 : i32 to vector<16xi32>
      %add3A_55 = arith.addi %add3A_54, %scan3A_47#1 : vector<16xi32>
      %swap3A_56 = arith.constant 0 : index
      %swap3A_57 = tpu.vector_load %arg10[%swap3A_56] {strides = array<i32>} : memref<16xi32, #tpu.memory_space<vmem>>, vector<16xi32>,
      tpu.vector_store %arg10[%swap3A_56], %add3A_55 {strides = array<i32>} : memref<16xi32, #tpu.memory_space<vmem>>, vector<16xi32>,
      %dma_start3A = arith.constant 0 : i32
      %dma_start3A_58 = arith.constant 0 : i32
      %dma_start3A_59 = tpu.memref_slice %arg3[%dma_start3A, %dma_start3A_58] : memref<409600x128xf32, #tpu.memory_space<hbm>> -> memref<409600x128xf32, #tpu.memory_space<hbm>>
      tpu.enqueue_indirect_dma source(%dma_start3A_59 : memref<409600x128xf32, #tpu.memory_space<hbm>>) target(%arg11 : memref<16x128xf32, #tpu.memory_space<vmem>>) offsets(%arg10 : memref<16xi32, #tpu.memory_space<vmem>>) semaphore(%arg19 : memref<!tpu.dma_semaphore, #tpu.memory_space<semaphore_mem>>)
      %gt3A = arith.constant 0 : i32
      %gt3A_60 = arith.cmpi sgt, %scan3A_30, %gt3A : i32
      %convert_element_type3A = arith.extui %gt3A_60 : i1 to i32
      %cond3A = arith.constant 0 : i32
      %cond3A_61 = arith.cmpi ne, %convert_element_type3A, %cond3A : i32
      scf.if %cond3A_61 {
        %dma_wait3A_108 = arith.constant 0 : i32
        %dma_wait3A_109 = arith.constant 0 : i32
        %dma_wait3A_110 = tpu.memref_slice %arg3[%dma_wait3A_108, %dma_wait3A_109] : memref<409600x128xf32, #tpu.memory_space<hbm>> -> memref<409600x128xf32, #tpu.memory_space<hbm>>
        tpu.wait_indirect_dma semaphore(%arg20 : memref<!tpu.dma_semaphore, #tpu.memory_space<semaphore_mem>>) src(%dma_wait3A_110 : memref<409600x128xf32, #tpu.memory_space<hbm>>) dst(%arg14 : memref<16x128xf32, #tpu.memory_space<vmem>>)
        %sub3A = arith.constant 1 : i32
        %sub3A_111 = arith.subi %mul3A_33, %sub3A : i32
        %mul3A_112 = arith.constant 16 : i32
        %mul3A_113 = arith.muli %sub3A_111, %mul3A_112 : i32
        %get3A_114 = arith.index_cast %mul3A_113 : i32 to index
        %get3A_115 = tpu.vector_load %arg17[%get3A_114] {strides = array<i32>} : memref<512xf32, #tpu.memory_space<vmem>>, vector<16xf32>,
        %mul3A_116 = arith.constant 16 : i32
        %mul3A_117 = arith.muli %sub3A_111, %mul3A_116 : i32
        %get3A_118 = arith.index_cast %mul3A_117 : i32 to index
        %get3A_119 = tpu.vector_load %arg18[%get3A_118] {strides = array<i32>} : memref<512xi32, #tpu.memory_space<vmem>>, vector<16xi32>,
        %while3A_120 = arith.constant 0 : i32
        %while3A_121:3 = scf.while (%while3A_130 = %while3A_120, %while3A_131 = %get3A_115, %while3A_132 = %get3A_119) : (i32, vector<16xf32>, vector<16xi32>) -> (i32, vector<16xf32>, vector<16xi32>) {
          %slice3A_133 = vector.extract_strided_slice %while3A_131 {offsets = [9], sizes = [1], strides = [1]} : vector<16xf32> to vector<1xf32>
          %squeeze3A_134 = vector.extract %slice3A_133[0] : f32 from vector<1xf32>
          %broadcast_in_dim3A_135 = vector.broadcast %squeeze3A_134 : f32 to vector<16xf32>
          %gt3A_136 = arith.cmpf ogt, %scan3A_31, %broadcast_in_dim3A_135 : vector<16xf32>
          %all_reduce_population_count3A = tpu.all_reduce %gt3A_136 {dim = 0 : i64, kind = #tpu.reduction_kind<sum>} : vector<16xi1> -> vector<16xi32>
          %slice3A_137 = vector.extract_strided_slice %all_reduce_population_count3A {offsets = [0], sizes = [1], strides = [1]} : vector<16xi32> to vector<1xi32>
          %squeeze3A_138 = vector.extract %slice3A_137[0] : i32 from vector<1xi32>
          %lt3A = arith.constant 16 : i32
          %lt3A_139 = arith.cmpi slt, %while3A_130, %lt3A : i32
          %gt3A_140 = arith.cmpi sgt, %squeeze3A_138, %while3A_130 : i32
          %and3A = arith.andi %lt3A_139, %gt3A_140 : i1
          scf.condition(%and3A) %while3A_130, %while3A_131, %while3A_132 : i32, vector<16xf32>, vector<16xi32>
        } do {
        ^bb0(%while3A_130: i32, %while3A_131: vector<16xf32>, %while3A_132: vector<16xi32>):
          %broadcast_in_dim3A_133 = vector.broadcast %while3A_130 : i32 to vector<16xi32>
          %gather3A = tpu.vector_load_idx %arg12[%broadcast_in_dim3A_133] : memref<16xi32, #tpu.memory_space<vmem>>[vector<16xi32>], vector<16xi32>,
          %add3A_134 = arith.constant 384 : i32
          %add3A_135 = vector.broadcast %add3A_134 : i32 to vector<16xi32>
          %add3A_136 = arith.addi %gather3A, %add3A_135 : vector<16xi32>
          %scan3A_137 = arith.constant 0 : i32
          %scan3A_138 = arith.constant 8 : i32
          %scan3A_139 = arith.addi %scan3A_137, %scan3A_138 : i32
          %scan3A_140 = arith.constant 1 : i32
          %scan3A_141:2 = scf.for %scan3A_145 = %scan3A_137 to %scan3A_139 step %scan3A_140 iter_args(%scan3A_146 = %while3A_131, %scan3A_147 = %while3A_132) -> (vector<16xf32>, vector<16xi32>)  : i32 {
            %mul3A_148 = arith.constant 16 : i32
            %mul3A_149 = arith.muli %scan3A_145, %mul3A_148 : i32
            %get3A_150 = arith.index_cast %while3A_130 : i32 to index
            %get3A_151 = arith.index_cast %mul3A_149 : i32 to index
            %get3A_152 = tpu.vector_load %arg14[%get3A_150, %get3A_151] {strides = array<i32>} : memref<16x128xf32, #tpu.memory_space<vmem>>, vector<16xf32>,
            %mul3A_153 = arith.constant 128 : i32
            %mul3A_154 = vector.broadcast %mul3A_153 : i32 to vector<16xi32>
            %mul3A_155 = arith.muli %add3A_136, %mul3A_154 : vector<16xi32>
            %mul3A_156 = arith.constant 16 : i32
            %mul3A_157 = arith.muli %scan3A_145, %mul3A_156 : i32
            %add3A_158 = vector.broadcast %mul3A_157 : i32 to vector<16xi32>
            %add3A_159 = arith.addi %mul3A_155, %add3A_158 : vector<16xi32>
            %add3A_160 = arith.addi %add3A_159, %iota3A : vector<16xi32>
            %slice3A_161 = vector.extract_strided_slice %scan3A_146 {offsets = [9], sizes = [1], strides = [1]} : vector<16xf32> to vector<1xf32>
            %squeeze3A_162 = vector.extract %slice3A_161[0] : f32 from vector<1xf32>
            %broadcast_in_dim3A_163 = vector.broadcast %squeeze3A_162 : f32 to vector<16xf32>
            %gt3A_164 = arith.cmpf ogt, %get3A_152, %broadcast_in_dim3A_163 : vector<16xf32>
            %all_reduce_population_count3A = tpu.all_reduce %gt3A_164 {dim = 0 : i64, kind = #tpu.reduction_kind<sum>} : vector<16xi1> -> vector<16xi32>
            %slice3A_165 = vector.extract_strided_slice %all_reduce_population_count3A {offsets = [0], sizes = [1], strides = [1]} : vector<16xi32> to vector<1xi32>
            %squeeze3A_166 = vector.extract %slice3A_165[0] : i32 from vector<1xi32>
            %gt3A_167 = arith.constant 0 : i32
            %gt3A_168 = arith.cmpi sgt, %squeeze3A_166, %gt3A_167 : i32
            %convert_element_type3A_169 = arith.extui %gt3A_168 : i1 to i32
            %cond3A_170 = arith.constant 0 : i32
            %cond3A_171 = arith.cmpi ne, %convert_element_type3A_169, %cond3A_170 : i32
            %cond3A_172:2 = scf.if %cond3A_171 -> (vector<16xf32>, vector<16xi32>) {
              %masked_sort3A = arith.constant dense<true> : vector<16xi1>
              %masked_sort3A_173, %masked_sort3A_174, %masked_sort3A_175 = tpu.sort %get3A_152, %add3A_160 masked %masked_sort3A : (vector<16xf32>, vector<16xi32>, vector<16xi1>) -> (vector<16xi1>, vector<16xf32>, vector<16xi32>)
              %ge3A = arith.cmpf oge, %scan3A_146, %masked_sort3A_174 : vector<16xf32>
              %select_n3A = arith.select %ge3A, %scan3A_146, %masked_sort3A_174 : vector<16xi1>, vector<16xf32>
              %select_n3A_176 = arith.select %ge3A, %scan3A_147, %masked_sort3A_175 : vector<16xi1>, vector<16xi32>
              %masked_sort3A_177 = arith.constant dense<true> : vector<16xi1>
              %masked_sort3A_178, %masked_sort3A_179, %masked_sort3A_180 = tpu.sort %select_n3A, %select_n3A_176 masked %masked_sort3A_177 {descending = true} : (vector<16xf32>, vector<16xi32>, vector<16xi1>) -> (vector<16xi1>, vector<16xf32>, vector<16xi32>)
              scf.yield %masked_sort3A_179, %masked_sort3A_180 : vector<16xf32>, vector<16xi32>
            } else {
              scf.yield %scan3A_146, %scan3A_147 : vector<16xf32>, vector<16xi32>
            }
            scf.yield %cond3A_172#0, %cond3A_172#1 : vector<16xf32>, vector<16xi32>
          }
          %scan3A_142 = arith.constant 8 : i32
          %add3A_143 = arith.constant 1 : i32
          %add3A_144 = arith.addi %while3A_130, %add3A_143 : i32
          scf.yield %add3A_144, %scan3A_141#0, %scan3A_141#1 : i32, vector<16xf32>, vector<16xi32>
        }
        %mul3A_122 = arith.constant 16 : i32
        %mul3A_123 = arith.muli %sub3A_111, %mul3A_122 : i32
        %swap3A_124 = arith.index_cast %mul3A_123 : i32 to index
        %swap3A_125 = tpu.vector_load %arg15[%swap3A_124] {strides = array<i32>} : memref<512xf32, #tpu.memory_space<vmem>>, vector<16xf32>,
        tpu.vector_store %arg15[%swap3A_124], %while3A_121#1 {strides = array<i32>} : memref<512xf32, #tpu.memory_space<vmem>>, vector<16xf32>,
        %mul3A_126 = arith.constant 16 : i32
        %mul3A_127 = arith.muli %sub3A_111, %mul3A_126 : i32
        %swap3A_128 = arith.index_cast %mul3A_127 : i32 to index
        %swap3A_129 = tpu.vector_load %arg16[%swap3A_128] {strides = array<i32>} : memref<512xi32, #tpu.memory_space<vmem>>, vector<16xi32>,
        tpu.vector_store %arg16[%swap3A_128], %while3A_121#2 {strides = array<i32>} : memref<512xi32, #tpu.memory_space<vmem>>, vector<16xi32>,
      } else {
      }
      %mul3A_62 = arith.constant 16 : i32
      %mul3A_63 = arith.muli %add3A_37, %mul3A_62 : i32
      %get3A_64 = arith.index_cast %mul3A_63 : i32 to index
      %get3A_65 = tpu.vector_load %arg17[%get3A_64] {strides = array<i32>} : memref<512xf32, #tpu.memory_space<vmem>>, vector<16xf32>,
      %slice3A_66 = vector.extract_strided_slice %get3A_65 {offsets = [9], sizes = [1], strides = [1]} : vector<16xf32> to vector<1xf32>
      %squeeze3A_67 = vector.extract %slice3A_66[0] : f32 from vector<1xf32>
      %broadcast_in_dim3A_68 = vector.broadcast %squeeze3A_67 : f32 to vector<16xf32>
      %scan3A_69 = arith.constant 0 : i32
      %scan3A_70 = arith.constant 25 : i32
      %scan3A_71 = arith.addi %scan3A_69, %scan3A_70 : i32
      %scan3A_72 = arith.constant 1 : i32
      %scan3A_73:2 = scf.for %scan3A_108 = %scan3A_69 to %scan3A_71 step %scan3A_72 iter_args(%scan3A_109 = %broadcast_in_dim3A_68, %scan3A_110 = %broadcast_in_dim3A_11) -> (vector<16xf32>, vector<16xi32>)  : i32 {
        %mul3A_111 = arith.constant 400 : i32
        %mul3A_112 = arith.muli %add3A_37, %mul3A_111 : i32
        %mul3A_113 = arith.constant 16 : i32
        %mul3A_114 = arith.muli %scan3A_108, %mul3A_113 : i32
        %add3A_115 = arith.addi %mul3A_112, %mul3A_114 : i32
        %get3A_116 = arith.index_cast %add3A_115 : i32 to index
        %get3A_117 = tpu.vector_load %arg8[%get3A_116] {strides = array<i32>} : memref<12800xf32, #tpu.memory_space<vmem>>, vector<16xf32>,
        %slice3A_118 = vector.extract_strided_slice %scan3A_109 {offsets = [9], sizes = [1], strides = [1]} : vector<16xf32> to vector<1xf32>
        %squeeze3A_119 = vector.extract %slice3A_118[0] : f32 from vector<1xf32>
        %broadcast_in_dim3A_120 = vector.broadcast %squeeze3A_119 : f32 to vector<16xf32>
        %gt3A_121 = arith.cmpf ogt, %get3A_117, %broadcast_in_dim3A_120 : vector<16xf32>
        %all_reduce_population_count3A = tpu.all_reduce %gt3A_121 {dim = 0 : i64, kind = #tpu.reduction_kind<sum>} : vector<16xi1> -> vector<16xi32>
        %slice3A_122 = vector.extract_strided_slice %all_reduce_population_count3A {offsets = [0], sizes = [1], strides = [1]} : vector<16xi32> to vector<1xi32>
        %squeeze3A_123 = vector.extract %slice3A_122[0] : i32 from vector<1xi32>
        %gt3A_124 = arith.constant 0 : i32
        %gt3A_125 = arith.cmpi sgt, %squeeze3A_123, %gt3A_124 : i32
        %convert_element_type3A_126 = arith.extui %gt3A_125 : i1 to i32
        %cond3A_127 = arith.constant 0 : i32
        %cond3A_128 = arith.cmpi ne, %convert_element_type3A_126, %cond3A_127 : i32
        %cond3A_129:2 = scf.if %cond3A_128 -> (vector<16xf32>, vector<16xi32>) {
          %mul3A_130 = arith.constant 16 : i32
          %mul3A_131 = arith.muli %scan3A_108, %mul3A_130 : i32
          %add3A_132 = vector.broadcast %mul3A_131 : i32 to vector<16xi32>
          %add3A_133 = arith.addi %add3A_132, %iota3A : vector<16xi32>
          %masked_sort3A = arith.constant dense<true> : vector<16xi1>
          %masked_sort3A_134, %masked_sort3A_135, %masked_sort3A_136 = tpu.sort %get3A_117, %add3A_133 masked %masked_sort3A : (vector<16xf32>, vector<16xi32>, vector<16xi1>) -> (vector<16xi1>, vector<16xf32>, vector<16xi32>)
          %ge3A = arith.cmpf oge, %scan3A_109, %masked_sort3A_135 : vector<16xf32>
          %select_n3A = arith.select %ge3A, %scan3A_109, %masked_sort3A_135 : vector<16xi1>, vector<16xf32>
          %select_n3A_137 = arith.select %ge3A, %scan3A_110, %masked_sort3A_136 : vector<16xi1>, vector<16xi32>
          %masked_sort3A_138 = arith.constant dense<true> : vector<16xi1>
          %masked_sort3A_139, %masked_sort3A_140, %masked_sort3A_141 = tpu.sort %select_n3A, %select_n3A_137 masked %masked_sort3A_138 {descending = true} : (vector<16xf32>, vector<16xi32>, vector<16xi1>) -> (vector<16xi1>, vector<16xf32>, vector<16xi32>)
          scf.yield %masked_sort3A_140, %masked_sort3A_141 : vector<16xf32>, vector<16xi32>
        } else {
          scf.yield %scan3A_109, %scan3A_110 : vector<16xf32>, vector<16xi32>
        }
        scf.yield %cond3A_129#0, %cond3A_129#1 : vector<16xf32>, vector<16xi32>
      }
      %scan3A_74 = arith.constant 25 : i32
      %swap3A_75 = arith.constant 0 : index
      %swap3A_76 = tpu.vector_load %arg12[%swap3A_75] {strides = array<i32>} : memref<16xi32, #tpu.memory_space<vmem>>, vector<16xi32>,
      tpu.vector_store %arg12[%swap3A_75], %scan3A_73#1 {strides = array<i32>} : memref<16xi32, #tpu.memory_space<vmem>>, vector<16xi32>,
      %add3A_77 = arith.addi %mul3A_2, %add3A_37 : i32
      %mul3A_78 = arith.constant 400 : i32
      %mul3A_79 = arith.muli %add3A_77, %mul3A_78 : i32
      %add3A_80 = vector.broadcast %mul3A_79 : i32 to vector<16xi32>
      %add3A_81 = arith.addi %add3A_80, %scan3A_73#1 : vector<16xi32>
      %swap3A_82 = arith.constant 0 : index
      %swap3A_83 = tpu.vector_load %arg13[%swap3A_82] {strides = array<i32>} : memref<16xi32, #tpu.memory_space<vmem>>, vector<16xi32>,
      tpu.vector_store %arg13[%swap3A_82], %add3A_81 {strides = array<i32>} : memref<16xi32, #tpu.memory_space<vmem>>, vector<16xi32>,
      %dma_start3A_84 = arith.constant 0 : i32
      %dma_start3A_85 = arith.constant 0 : i32
      %dma_start3A_86 = tpu.memref_slice %arg3[%dma_start3A_84, %dma_start3A_85] : memref<409600x128xf32, #tpu.memory_space<hbm>> -> memref<409600x128xf32, #tpu.memory_space<hbm>>
      tpu.enqueue_indirect_dma source(%dma_start3A_86 : memref<409600x128xf32, #tpu.memory_space<hbm>>) target(%arg14 : memref<16x128xf32, #tpu.memory_space<vmem>>) offsets(%arg13 : memref<16xi32, #tpu.memory_space<vmem>>) semaphore(%arg20 : memref<!tpu.dma_semaphore, #tpu.memory_space<semaphore_mem>>)
      %dma_wait3A_87 = arith.constant 0 : i32
      %dma_wait3A_88 = arith.constant 0 : i32
      %dma_wait3A_89 = tpu.memref_slice %arg3[%dma_wait3A_87, %dma_wait3A_88] : memref<409600x128xf32, #tpu.memory_space<hbm>> -> memref<409600x128xf32, #tpu.memory_space<hbm>>
      tpu.wait_indirect_dma semaphore(%arg19 : memref<!tpu.dma_semaphore, #tpu.memory_space<semaphore_mem>>) src(%dma_wait3A_89 : memref<409600x128xf32, #tpu.memory_space<hbm>>) dst(%arg11 : memref<16x128xf32, #tpu.memory_space<vmem>>)
      %mul3A_90 = arith.constant 16 : i32
      %mul3A_91 = arith.muli %mul3A_33, %mul3A_90 : i32
      %get3A_92 = arith.index_cast %mul3A_91 : i32 to index
      %get3A_93 = tpu.vector_load %arg17[%get3A_92] {strides = array<i32>} : memref<512xf32, #tpu.memory_space<vmem>>, vector<16xf32>,
      %mul3A_94 = arith.constant 16 : i32
      %mul3A_95 = arith.muli %mul3A_33, %mul3A_94 : i32
      %get3A_96 = arith.index_cast %mul3A_95 : i32 to index
      %get3A_97 = tpu.vector_load %arg18[%get3A_96] {strides = array<i32>} : memref<512xi32, #tpu.memory_space<vmem>>, vector<16xi32>,
      %while3A_98 = arith.constant 0 : i32
      %while3A_99:3 = scf.while (%while3A_108 = %while3A_98, %while3A_109 = %get3A_93, %while3A_110 = %get3A_97) : (i32, vector<16xf32>, vector<16xi32>) -> (i32, vector<16xf32>, vector<16xi32>) {
        %slice3A_111 = vector.extract_strided_slice %while3A_109 {offsets = [9], sizes = [1], strides = [1]} : vector<16xf32> to vector<1xf32>
        %squeeze3A_112 = vector.extract %slice3A_111[0] : f32 from vector<1xf32>
        %broadcast_in_dim3A_113 = vector.broadcast %squeeze3A_112 : f32 to vector<16xf32>
        %gt3A_114 = arith.cmpf ogt, %scan3A_47#0, %broadcast_in_dim3A_113 : vector<16xf32>
        %all_reduce_population_count3A = tpu.all_reduce %gt3A_114 {dim = 0 : i64, kind = #tpu.reduction_kind<sum>} : vector<16xi1> -> vector<16xi32>
        %slice3A_115 = vector.extract_strided_slice %all_reduce_population_count3A {offsets = [0], sizes = [1], strides = [1]} : vector<16xi32> to vector<1xi32>
        %squeeze3A_116 = vector.extract %slice3A_115[0] : i32 from vector<1xi32>
        %lt3A = arith.constant 16 : i32
        %lt3A_117 = arith.cmpi slt, %while3A_108, %lt3A : i32
        %gt3A_118 = arith.cmpi sgt, %squeeze3A_116, %while3A_108 : i32
        %and3A = arith.andi %lt3A_117, %gt3A_118 : i1
        scf.condition(%and3A) %while3A_108, %while3A_109, %while3A_110 : i32, vector<16xf32>, vector<16xi32>
      } do {
      ^bb0(%while3A_108: i32, %while3A_109: vector<16xf32>, %while3A_110: vector<16xi32>):
        %broadcast_in_dim3A_111 = vector.broadcast %while3A_108 : i32 to vector<16xi32>
        %gather3A = tpu.vector_load_idx %arg9[%broadcast_in_dim3A_111] : memref<16xi32, #tpu.memory_space<vmem>>[vector<16xi32>], vector<16xi32>,
        %add3A_112 = arith.constant 384 : i32
        %add3A_113 = vector.broadcast %add3A_112 : i32 to vector<16xi32>
        %add3A_114 = arith.addi %gather3A, %add3A_113 : vector<16xi32>
        %scan3A_115 = arith.constant 0 : i32
        %scan3A_116 = arith.constant 8 : i32
        %scan3A_117 = arith.addi %scan3A_115, %scan3A_116 : i32
        %scan3A_118 = arith.constant 1 : i32
        %scan3A_119:2 = scf.for %scan3A_123 = %scan3A_115 to %scan3A_117 step %scan3A_118 iter_args(%scan3A_124 = %while3A_109, %scan3A_125 = %while3A_110) -> (vector<16xf32>, vector<16xi32>)  : i32 {
          %mul3A_126 = arith.constant 16 : i32
          %mul3A_127 = arith.muli %scan3A_123, %mul3A_126 : i32
          %get3A_128 = arith.index_cast %while3A_108 : i32 to index
          %get3A_129 = arith.index_cast %mul3A_127 : i32 to index
          %get3A_130 = tpu.vector_load %arg11[%get3A_128, %get3A_129] {strides = array<i32>} : memref<16x128xf32, #tpu.memory_space<vmem>>, vector<16xf32>,
          %mul3A_131 = arith.constant 128 : i32
          %mul3A_132 = vector.broadcast %mul3A_131 : i32 to vector<16xi32>
          %mul3A_133 = arith.muli %add3A_114, %mul3A_132 : vector<16xi32>
          %mul3A_134 = arith.constant 16 : i32
          %mul3A_135 = arith.muli %scan3A_123, %mul3A_134 : i32
          %add3A_136 = vector.broadcast %mul3A_135 : i32 to vector<16xi32>
          %add3A_137 = arith.addi %mul3A_133, %add3A_136 : vector<16xi32>
          %add3A_138 = arith.addi %add3A_137, %iota3A : vector<16xi32>
          %slice3A_139 = vector.extract_strided_slice %scan3A_124 {offsets = [9], sizes = [1], strides = [1]} : vector<16xf32> to vector<1xf32>
          %squeeze3A_140 = vector.extract %slice3A_139[0] : f32 from vector<1xf32>
          %broadcast_in_dim3A_141 = vector.broadcast %squeeze3A_140 : f32 to vector<16xf32>
          %gt3A_142 = arith.cmpf ogt, %get3A_130, %broadcast_in_dim3A_141 : vector<16xf32>
          %all_reduce_population_count3A = tpu.all_reduce %gt3A_142 {dim = 0 : i64, kind = #tpu.reduction_kind<sum>} : vector<16xi1> -> vector<16xi32>
          %slice3A_143 = vector.extract_strided_slice %all_reduce_population_count3A {offsets = [0], sizes = [1], strides = [1]} : vector<16xi32> to vector<1xi32>
          %squeeze3A_144 = vector.extract %slice3A_143[0] : i32 from vector<1xi32>
          %gt3A_145 = arith.constant 0 : i32
          %gt3A_146 = arith.cmpi sgt, %squeeze3A_144, %gt3A_145 : i32
          %convert_element_type3A_147 = arith.extui %gt3A_146 : i1 to i32
          %cond3A_148 = arith.constant 0 : i32
          %cond3A_149 = arith.cmpi ne, %convert_element_type3A_147, %cond3A_148 : i32
          %cond3A_150:2 = scf.if %cond3A_149 -> (vector<16xf32>, vector<16xi32>) {
            %masked_sort3A = arith.constant dense<true> : vector<16xi1>
            %masked_sort3A_151, %masked_sort3A_152, %masked_sort3A_153 = tpu.sort %get3A_130, %add3A_138 masked %masked_sort3A : (vector<16xf32>, vector<16xi32>, vector<16xi1>) -> (vector<16xi1>, vector<16xf32>, vector<16xi32>)
            %ge3A = arith.cmpf oge, %scan3A_124, %masked_sort3A_152 : vector<16xf32>
            %select_n3A = arith.select %ge3A, %scan3A_124, %masked_sort3A_152 : vector<16xi1>, vector<16xf32>
            %select_n3A_154 = arith.select %ge3A, %scan3A_125, %masked_sort3A_153 : vector<16xi1>, vector<16xi32>
            %masked_sort3A_155 = arith.constant dense<true> : vector<16xi1>
            %masked_sort3A_156, %masked_sort3A_157, %masked_sort3A_158 = tpu.sort %select_n3A, %select_n3A_154 masked %masked_sort3A_155 {descending = true} : (vector<16xf32>, vector<16xi32>, vector<16xi1>) -> (vector<16xi1>, vector<16xf32>, vector<16xi32>)
            scf.yield %masked_sort3A_157, %masked_sort3A_158 : vector<16xf32>, vector<16xi32>
          } else {
            scf.yield %scan3A_124, %scan3A_125 : vector<16xf32>, vector<16xi32>
          }
          scf.yield %cond3A_150#0, %cond3A_150#1 : vector<16xf32>, vector<16xi32>
        }
        %scan3A_120 = arith.constant 8 : i32
        %add3A_121 = arith.constant 1 : i32
        %add3A_122 = arith.addi %while3A_108, %add3A_121 : i32
        scf.yield %add3A_122, %scan3A_119#0, %scan3A_119#1 : i32, vector<16xf32>, vector<16xi32>
      }
      %mul3A_100 = arith.constant 16 : i32
      %mul3A_101 = arith.muli %mul3A_33, %mul3A_100 : i32
      %swap3A_102 = arith.index_cast %mul3A_101 : i32 to index
      %swap3A_103 = tpu.vector_load %arg15[%swap3A_102] {strides = array<i32>} : memref<512xf32, #tpu.memory_space<vmem>>, vector<16xf32>,
      tpu.vector_store %arg15[%swap3A_102], %while3A_99#1 {strides = array<i32>} : memref<512xf32, #tpu.memory_space<vmem>>, vector<16xf32>,
      %mul3A_104 = arith.constant 16 : i32
      %mul3A_105 = arith.muli %mul3A_33, %mul3A_104 : i32
      %swap3A_106 = arith.index_cast %mul3A_105 : i32 to index
      %swap3A_107 = tpu.vector_load %arg16[%swap3A_106] {strides = array<i32>} : memref<512xi32, #tpu.memory_space<vmem>>, vector<16xi32>,
      tpu.vector_store %arg16[%swap3A_106], %while3A_99#2 {strides = array<i32>} : memref<512xi32, #tpu.memory_space<vmem>>, vector<16xi32>,
      scf.yield %scan3A_73#0 : vector<16xf32>
    }
    %scan3A_16 = arith.constant 16 : i32
    %dma_wait3A = arith.constant 0 : i32
    %dma_wait3A_17 = arith.constant 0 : i32
    %dma_wait3A_18 = tpu.memref_slice %arg3[%dma_wait3A, %dma_wait3A_17] : memref<409600x128xf32, #tpu.memory_space<hbm>> -> memref<409600x128xf32, #tpu.memory_space<hbm>>
    tpu.wait_indirect_dma semaphore(%arg20 : memref<!tpu.dma_semaphore, #tpu.memory_space<semaphore_mem>>) src(%dma_wait3A_18 : memref<409600x128xf32, #tpu.memory_space<hbm>>) dst(%arg14 : memref<16x128xf32, #tpu.memory_space<vmem>>)
    %get3A = arith.constant 496 : index
    %get3A_19 = tpu.vector_load %arg17[%get3A] {strides = array<i32>} : memref<512xf32, #tpu.memory_space<vmem>>, vector<16xf32>,
    %get3A_20 = arith.constant 496 : index
    %get3A_21 = tpu.vector_load %arg18[%get3A_20] {strides = array<i32>} : memref<512xi32, #tpu.memory_space<vmem>>, vector<16xi32>,
    %while3A = arith.constant 0 : i32
    %while3A_22:3 = scf.while (%while3A_30 = %while3A, %while3A_31 = %get3A_19, %while3A_32 = %get3A_21) : (i32, vector<16xf32>, vector<16xi32>) -> (i32, vector<16xf32>, vector<16xi32>) {
      %slice3A = vector.extract_strided_slice %while3A_31 {offsets = [9], sizes = [1], strides = [1]} : vector<16xf32> to vector<1xf32>
      %squeeze3A = vector.extract %slice3A[0] : f32 from vector<1xf32>
      %broadcast_in_dim3A_33 = vector.broadcast %squeeze3A : f32 to vector<16xf32>
      %gt3A = arith.cmpf ogt, %scan3A_15, %broadcast_in_dim3A_33 : vector<16xf32>
      %all_reduce_population_count3A = tpu.all_reduce %gt3A {dim = 0 : i64, kind = #tpu.reduction_kind<sum>} : vector<16xi1> -> vector<16xi32>
      %slice3A_34 = vector.extract_strided_slice %all_reduce_population_count3A {offsets = [0], sizes = [1], strides = [1]} : vector<16xi32> to vector<1xi32>
      %squeeze3A_35 = vector.extract %slice3A_34[0] : i32 from vector<1xi32>
      %lt3A = arith.constant 16 : i32
      %lt3A_36 = arith.cmpi slt, %while3A_30, %lt3A : i32
      %gt3A_37 = arith.cmpi sgt, %squeeze3A_35, %while3A_30 : i32
      %and3A = arith.andi %lt3A_36, %gt3A_37 : i1
      scf.condition(%and3A) %while3A_30, %while3A_31, %while3A_32 : i32, vector<16xf32>, vector<16xi32>
    } do {
    ^bb0(%while3A_30: i32, %while3A_31: vector<16xf32>, %while3A_32: vector<16xi32>):
      %broadcast_in_dim3A_33 = vector.broadcast %while3A_30 : i32 to vector<16xi32>
      %gather3A = tpu.vector_load_idx %arg12[%broadcast_in_dim3A_33] : memref<16xi32, #tpu.memory_space<vmem>>[vector<16xi32>], vector<16xi32>,
      %add3A_34 = arith.constant 384 : i32
      %add3A_35 = vector.broadcast %add3A_34 : i32 to vector<16xi32>
      %add3A_36 = arith.addi %gather3A, %add3A_35 : vector<16xi32>
      %scan3A_37 = arith.constant 0 : i32
      %scan3A_38 = arith.constant 8 : i32
      %scan3A_39 = arith.addi %scan3A_37, %scan3A_38 : i32
      %scan3A_40 = arith.constant 1 : i32
      %scan3A_41:2 = scf.for %scan3A_45 = %scan3A_37 to %scan3A_39 step %scan3A_40 iter_args(%scan3A_46 = %while3A_31, %scan3A_47 = %while3A_32) -> (vector<16xf32>, vector<16xi32>)  : i32 {
        %mul3A_48 = arith.constant 16 : i32
        %mul3A_49 = arith.muli %scan3A_45, %mul3A_48 : i32
        %get3A_50 = arith.index_cast %while3A_30 : i32 to index
        %get3A_51 = arith.index_cast %mul3A_49 : i32 to index
        %get3A_52 = tpu.vector_load %arg14[%get3A_50, %get3A_51] {strides = array<i32>} : memref<16x128xf32, #tpu.memory_space<vmem>>, vector<16xf32>,
        %mul3A_53 = arith.constant 128 : i32
        %mul3A_54 = vector.broadcast %mul3A_53 : i32 to vector<16xi32>
        %mul3A_55 = arith.muli %add3A_36, %mul3A_54 : vector<16xi32>
        %mul3A_56 = arith.constant 16 : i32
        %mul3A_57 = arith.muli %scan3A_45, %mul3A_56 : i32
        %add3A_58 = vector.broadcast %mul3A_57 : i32 to vector<16xi32>
        %add3A_59 = arith.addi %mul3A_55, %add3A_58 : vector<16xi32>
        %add3A_60 = arith.addi %add3A_59, %iota3A : vector<16xi32>
        %slice3A = vector.extract_strided_slice %scan3A_46 {offsets = [9], sizes = [1], strides = [1]} : vector<16xf32> to vector<1xf32>
        %squeeze3A = vector.extract %slice3A[0] : f32 from vector<1xf32>
        %broadcast_in_dim3A_61 = vector.broadcast %squeeze3A : f32 to vector<16xf32>
        %gt3A = arith.cmpf ogt, %get3A_52, %broadcast_in_dim3A_61 : vector<16xf32>
        %all_reduce_population_count3A = tpu.all_reduce %gt3A {dim = 0 : i64, kind = #tpu.reduction_kind<sum>} : vector<16xi1> -> vector<16xi32>
        %slice3A_62 = vector.extract_strided_slice %all_reduce_population_count3A {offsets = [0], sizes = [1], strides = [1]} : vector<16xi32> to vector<1xi32>
        %squeeze3A_63 = vector.extract %slice3A_62[0] : i32 from vector<1xi32>
        %gt3A_64 = arith.constant 0 : i32
        %gt3A_65 = arith.cmpi sgt, %squeeze3A_63, %gt3A_64 : i32
        %convert_element_type3A = arith.extui %gt3A_65 : i1 to i32
        %cond3A = arith.constant 0 : i32
        %cond3A_66 = arith.cmpi ne, %convert_element_type3A, %cond3A : i32
        %cond3A_67:2 = scf.if %cond3A_66 -> (vector<16xf32>, vector<16xi32>) {
          %masked_sort3A = arith.constant dense<true> : vector<16xi1>
          %masked_sort3A_68, %masked_sort3A_69, %masked_sort3A_70 = tpu.sort %get3A_52, %add3A_60 masked %masked_sort3A : (vector<16xf32>, vector<16xi32>, vector<16xi1>) -> (vector<16xi1>, vector<16xf32>, vector<16xi32>)
          %ge3A = arith.cmpf oge, %scan3A_46, %masked_sort3A_69 : vector<16xf32>
          %select_n3A = arith.select %ge3A, %scan3A_46, %masked_sort3A_69 : vector<16xi1>, vector<16xf32>
          %select_n3A_71 = arith.select %ge3A, %scan3A_47, %masked_sort3A_70 : vector<16xi1>, vector<16xi32>
          %masked_sort3A_72 = arith.constant dense<true> : vector<16xi1>
          %masked_sort3A_73, %masked_sort3A_74, %masked_sort3A_75 = tpu.sort %select_n3A, %select_n3A_71 masked %masked_sort3A_72 {descending = true} : (vector<16xf32>, vector<16xi32>, vector<16xi1>) -> (vector<16xi1>, vector<16xf32>, vector<16xi32>)
          scf.yield %masked_sort3A_74, %masked_sort3A_75 : vector<16xf32>, vector<16xi32>
        } else {
          scf.yield %scan3A_46, %scan3A_47 : vector<16xf32>, vector<16xi32>
        }
        scf.yield %cond3A_67#0, %cond3A_67#1 : vector<16xf32>, vector<16xi32>
      }
      %scan3A_42 = arith.constant 8 : i32
      %add3A_43 = arith.constant 1 : i32
      %add3A_44 = arith.addi %while3A_30, %add3A_43 : i32
      scf.yield %add3A_44, %scan3A_41#0, %scan3A_41#1 : i32, vector<16xf32>, vector<16xi32>
    }
    %swap3A = arith.constant 496 : index
    %swap3A_23 = tpu.vector_load %arg15[%swap3A] {strides = array<i32>} : memref<512xf32, #tpu.memory_space<vmem>>, vector<16xf32>,
    tpu.vector_store %arg15[%swap3A], %while3A_22#1 {strides = array<i32>} : memref<512xf32, #tpu.memory_space<vmem>>, vector<16xf32>,
    %swap3A_24 = arith.constant 496 : index
    %swap3A_25 = tpu.vector_load %arg16[%swap3A_24] {strides = array<i32>} : memref<512xi32, #tpu.memory_space<vmem>>, vector<16xi32>,
    tpu.vector_store %arg16[%swap3A_24], %while3A_22#2 {strides = array<i32>} : memref<512xi32, #tpu.memory_space<vmem>>, vector<16xi32>,
    %mul3A_26 = arith.constant 16 : i32
    %mul3A_27 = arith.muli %mul3A_2, %mul3A_26 : i32
    "tpu.region"() ({
      %run_scoped3A = tpu.sem_alloc : memref<!tpu.dma_semaphore, #tpu.memory_space<semaphore_mem>>
      %dma_start3A = tpu.memref_slice %arg6[%mul3A_27] : memref<16384xf32, #tpu.memory_space<hbm>> -> memref<512xf32, #tpu.memory_space<hbm>>
      %dma_start3A_30 = tpu.memref_slice %arg6[%mul3A_27] : memref<16384xf32, #tpu.memory_space<hbm>> -> memref<512xf32, #tpu.memory_space<hbm>>
      tpu.enqueue_dma source(%arg15 : memref<512xf32, #tpu.memory_space<vmem>>) target(%dma_start3A_30 : memref<512xf32, #tpu.memory_space<hbm>>) target_semaphore(%run_scoped3A : memref<!tpu.dma_semaphore, #tpu.memory_space<semaphore_mem>>)
      %dma_wait3A_31 = tpu.memref_slice %arg6[%mul3A_27] : memref<16384xf32, #tpu.memory_space<hbm>> -> memref<512xf32, #tpu.memory_space<hbm>>
      %dma_wait3A_32 = tpu.memref_slice %arg6[%mul3A_27] : memref<16384xf32, #tpu.memory_space<hbm>> -> memref<512xf32, #tpu.memory_space<hbm>>
      tpu.wait_dma2 semaphore(%run_scoped3A : memref<!tpu.dma_semaphore, #tpu.memory_space<semaphore_mem>>) src(%arg15 : memref<512xf32, #tpu.memory_space<vmem>>) dst(%dma_wait3A_32 : memref<512xf32, #tpu.memory_space<hbm>>)
      tpu.yield
    }) : () -> ()
    %mul3A_28 = arith.constant 16 : i32
    %mul3A_29 = arith.muli %mul3A_2, %mul3A_28 : i32
    "tpu.region"() ({
      %run_scoped3A = tpu.sem_alloc : memref<!tpu.dma_semaphore, #tpu.memory_space<semaphore_mem>>
      %dma_start3A = tpu.memref_slice %arg7[%mul3A_29] : memref<16384xi32, #tpu.memory_space<hbm>> -> memref<512xi32, #tpu.memory_space<hbm>>
      %dma_start3A_30 = tpu.memref_slice %arg7[%mul3A_29] : memref<16384xi32, #tpu.memory_space<hbm>> -> memref<512xi32, #tpu.memory_space<hbm>>
      tpu.enqueue_dma source(%arg16 : memref<512xi32, #tpu.memory_space<vmem>>) target(%dma_start3A_30 : memref<512xi32, #tpu.memory_space<hbm>>) target_semaphore(%run_scoped3A : memref<!tpu.dma_semaphore, #tpu.memory_space<semaphore_mem>>)
      %dma_wait3A_31 = tpu.memref_slice %arg7[%mul3A_29] : memref<16384xi32, #tpu.memory_space<hbm>> -> memref<512xi32, #tpu.memory_space<hbm>>
      %dma_wait3A_32 = tpu.memref_slice %arg7[%mul3A_29] : memref<16384xi32, #tpu.memory_space<hbm>> -> memref<512xi32, #tpu.memory_space<hbm>>
      tpu.wait_dma2 semaphore(%run_scoped3A : memref<!tpu.dma_semaphore, #tpu.memory_space<semaphore_mem>>) src(%arg16 : memref<512xi32, #tpu.memory_space<vmem>>) dst(%dma_wait3A_32 : memref<512xi32, #tpu.memory_space<hbm>>)
      tpu.yield
    }) : () -> ()
    return
  }
}

module attributes {stable_mosaic.version = 14 : i64} {
  func.func @_score_body(%arg0: i32, %arg1: memref<1024x32xf32, #tpu.memory_space<vmem>>, %arg2: memref<32x2048xf32, #tpu.memory_space<vmem>>, %arg3: memref<1024x2048xf32, #tpu.memory_space<vmem>>, %arg4: memref<1x1024x16xf32, #tpu.memory_space<vmem>>, %arg5: memref<1024x32xf32, #tpu.memory_space<vmem>>) attributes {dimension_semantics = [#tpu.dimension_semantics<arbitrary>], iteration_bounds = array<i64: 24>, scalar_prefetch = 0 : i64, scratch_operands = 1 : i64, tpu.core_type = #tpu.core_type<tc>, window_params = [{pipeline_mode = #tpu.pipeline_mode<synchronous>, transform_indices = @transform_0, window_bounds = array<i64: 1024, 32>}, {transform_indices = @transform_1, window_bounds = array<i64: 32, 2048>}, {transform_indices = @transform_2, window_bounds = array<i64: 1024, 2048>}, {transform_indices = @transform_3, window_bounds = array<i64: 1, 1024, 16>}]} {
    %eq3A = arith.constant 0 : i32
    %eq3A_0 = arith.cmpi eq, %arg0, %eq3A : i32
    %convert_element_type3A = arith.extui %eq3A_0 : i1 to i32
    %cond3A = arith.constant 0 : i32
    %cond3A_1 = arith.cmpi ne, %convert_element_type3A, %cond3A : i32
    scf.if %cond3A_1 {
      %get3A_32 = arith.constant 0 : index
      %get3A_33 = arith.constant 0 : index
      %get3A_34 = vector.load %arg1[%get3A_32, %get3A_33] : memref<1024x32xf32, #tpu.memory_space<vmem>>, vector<1024x32xf32>
      %mul3A_35 = arith.mulf %get3A_34, %get3A_34 : vector<1024x32xf32>
      %reduce_sum3A_36 = arith.constant dense<0.000000e+00> : vector<1024xf32>
      %reduce_sum3A_37 = vector.multi_reduction <add>, %mul3A_35, %reduce_sum3A_36 [1] : vector<1024x32xf32> to vector<1024xf32>
      %broadcast_in_dim3A_38 = vector.shape_cast %reduce_sum3A_37 : vector<1024xf32> to vector<1024x1xf32>
      %sqrt3A_39 = math.sqrt %broadcast_in_dim3A_38 : vector<1024x1xf32>
      %add3A_40 = arith.constant 9.99999996E-13 : f32
      %add3A_41 = vector.broadcast %add3A_40 : f32 to vector<1024x1xf32>
      %add3A_42 = arith.addf %sqrt3A_39, %add3A_41 : vector<1024x1xf32>
      %div3A_43 = vector.broadcast %add3A_42 : vector<1024x1xf32> to vector<1024x32xf32>
      %div3A_44 = arith.divf %get3A_34, %div3A_43 : vector<1024x32xf32>
      %swap3A_45 = arith.constant 0 : index
      %swap3A_46 = arith.constant 0 : index
      %swap3A_47 = vector.load %arg5[%swap3A_45, %swap3A_46] : memref<1024x32xf32, #tpu.memory_space<vmem>>, vector<1024x32xf32>
      tpu.vector_store %arg5[%swap3A_45, %swap3A_46], %div3A_44 {strides = array<i32>} : memref<1024x32xf32, #tpu.memory_space<vmem>>, vector<1024x32xf32>,
    } else {
    }
    %get3A = arith.constant 0 : index
    %get3A_2 = arith.constant 0 : index
    %get3A_3 = vector.load %arg2[%get3A, %get3A_2] : memref<32x2048xf32, #tpu.memory_space<vmem>>, vector<32x2048xf32>
    %mul3A = arith.mulf %get3A_3, %get3A_3 : vector<32x2048xf32>
    %reduce_sum3A = arith.constant dense<0.000000e+00> : vector<2048xf32>
    %reduce_sum3A_4 = vector.multi_reduction <add>, %mul3A, %reduce_sum3A [0] : vector<32x2048xf32> to vector<2048xf32>
    %broadcast_in_dim3A = vector.shape_cast %reduce_sum3A_4 : vector<2048xf32> to vector<1x2048xf32>
    %sqrt3A = math.sqrt %broadcast_in_dim3A : vector<1x2048xf32>
    %add3A = arith.constant 9.99999996E-13 : f32
    %add3A_5 = vector.broadcast %add3A : f32 to vector<1x2048xf32>
    %add3A_6 = arith.addf %sqrt3A, %add3A_5 : vector<1x2048xf32>
    %div3A = arith.constant 1.000000e+00 : f32
    %div3A_7 = vector.broadcast %div3A : f32 to vector<1x2048xf32>
    %div3A_8 = arith.divf %div3A_7, %add3A_6 : vector<1x2048xf32>
    %get3A_9 = arith.constant 0 : index
    %get3A_10 = arith.constant 0 : index
    %get3A_11 = vector.load %arg5[%get3A_9, %get3A_10] : memref<1024x32xf32, #tpu.memory_space<vmem>>, vector<1024x32xf32>
    %mul3A_12 = vector.broadcast %div3A_8 : vector<1x2048xf32> to vector<32x2048xf32>
    %mul3A_13 = arith.mulf %get3A_3, %mul3A_12 : vector<32x2048xf32>
    %dot_general3A = arith.constant dense<0.000000e+00> : vector<1024x2048xf32>
    %dot_general3A_14 = tpu.matmul %get3A_11, %mul3A_13, %dot_general3A {dimension_numbers = #tpu.dot_dimension_numbers<[1], [0], [0], [1], [0, 0, 1, 1], [], []>, transpose_lhs_hint = false} : vector<1024x32xf32>, vector<32x2048xf32>, vector<1024x2048xf32> -> vector<1024x2048xf32>
    %iota3A = tpu.iota {dimensions = array<i32: 1>} : vector<1x2048xi32>
    %mul3A_15 = arith.constant 2048 : i32
    %mul3A_16 = arith.muli %arg0, %mul3A_15 : i32
    %add3A_17 = vector.broadcast %mul3A_16 : i32 to vector<1x2048xi32>
    %add3A_18 = arith.addi %iota3A, %add3A_17 : vector<1x2048xi32>
    %lt3A = arith.constant 49152 : i32
    %lt3A_19 = vector.broadcast %lt3A : i32 to vector<1x2048xi32>
    %lt3A_20 = arith.cmpi slt, %add3A_18, %lt3A_19 : vector<1x2048xi32>
    %jit3A = arith.constant 0xFF800000 : f32
    %broadcast_in_dim3A_21 = vector.shape_cast %lt3A_20 : vector<1x2048xi1> to vector<1x2048xi1>
    %broadcast_in_dim3A_22 = vector.broadcast %broadcast_in_dim3A_21 : vector<1x2048xi1> to vector<1024x2048xi1>
    %broadcast_in_dim3A_23 = vector.broadcast %jit3A : f32 to vector<1024x2048xf32>
    %select_n3A = arith.select %broadcast_in_dim3A_22, %dot_general3A_14, %broadcast_in_dim3A_23 : vector<1024x2048xi1>, vector<1024x2048xf32>
    %swap3A = arith.constant 0 : index
    %swap3A_24 = arith.constant 0 : index
    %swap3A_25 = vector.load %arg3[%swap3A, %swap3A_24] : memref<1024x2048xf32, #tpu.memory_space<vmem>>, vector<1024x2048xf32>
    tpu.vector_store %arg3[%swap3A, %swap3A_24], %select_n3A {strides = array<i32>} : memref<1024x2048xf32, #tpu.memory_space<vmem>>, vector<1024x2048xf32>,
    %reshape3A = vector.shape_cast %select_n3A : vector<1024x2048xf32> to vector<1024x16x128xf32>
    %reduce_max3A = arith.constant dense<0xFF800000> : vector<1024x16xf32>
    %reduce_max3A_26 = vector.multi_reduction <maximumf>, %reshape3A, %reduce_max3A [2] : vector<1024x16x128xf32> to vector<1024x16xf32>
    %broadcast_in_dim3A_27 = vector.shape_cast %reduce_max3A_26 : vector<1024x16xf32> to vector<1x1024x16xf32>
    %swap3A_28 = arith.constant 0 : index
    %swap3A_29 = arith.constant 0 : index
    %swap3A_30 = arith.constant 0 : index
    %swap3A_31 = vector.load %arg4[%swap3A_28, %swap3A_29, %swap3A_30] : memref<1x1024x16xf32, #tpu.memory_space<vmem>>, vector<1x1024x16xf32>
    tpu.vector_store %arg4[%swap3A_28, %swap3A_29, %swap3A_30], %broadcast_in_dim3A_27 {strides = array<i32>} : memref<1x1024x16xf32, #tpu.memory_space<vmem>>, vector<1x1024x16xf32>,
    return
  }
  func.func @transform_0(%arg0: i32) -> (i32, i32) {
    %c0_i32 = arith.constant 0 : i32
    %c0_i32_0 = arith.constant 0 : i32
    %c0_i32_1 = arith.constant 0 : i32
    return %c0_i32, %c0_i32_0 : i32, i32
  }
  func.func @transform_1(%arg0: i32) -> (i32, i32) {
    %c0_i32 = arith.constant 0 : i32
    %c0_i32_0 = arith.constant 0 : i32
    return %c0_i32, %arg0 : i32, i32
  }
  func.func @transform_2(%arg0: i32) -> (i32, i32) {
    %c0_i32 = arith.constant 0 : i32
    %c0_i32_0 = arith.constant 0 : i32
    return %c0_i32, %arg0 : i32, i32
  }
  func.func @transform_3(%arg0: i32) -> (i32, i32, i32) {
    %c0_i32 = arith.constant 0 : i32
    %c0_i32_0 = arith.constant 0 : i32
    %c0_i32_1 = arith.constant 0 : i32
    return %arg0, %c0_i32, %c0_i32_0 : i32, i32, i32
  }
}

module attributes {stable_mosaic.version = 14 : i64} {
  func.func @_score_body(%arg0: i32, %arg1: memref<1024x32xf32, #tpu.memory_space<vmem>>, %arg2: memref<32x2048xf32, #tpu.memory_space<vmem>>, %arg3: memref<1024x2048xf32, #tpu.memory_space<vmem>>, %arg4: memref<1x1024x16xf32, #tpu.memory_space<vmem>>, %arg5: memref<1024x32xf32, #tpu.memory_space<vmem>>) attributes {dimension_semantics = [#tpu.dimension_semantics<arbitrary>], iteration_bounds = array<i64: 25>, scalar_prefetch = 0 : i64, scratch_operands = 1 : i64, tpu.core_type = #tpu.core_type<tc>, window_params = [{pipeline_mode = #tpu.pipeline_mode<synchronous>, transform_indices = @transform_0, window_bounds = array<i64: 1024, 32>}, {transform_indices = @transform_1, window_bounds = array<i64: 32, 2048>}, {transform_indices = @transform_2, window_bounds = array<i64: 1024, 2048>}, {transform_indices = @transform_3, window_bounds = array<i64: 1, 1024, 16>}]} {
    %eq3A = arith.constant 0 : i32
    %eq3A_0 = arith.cmpi eq, %arg0, %eq3A : i32
    %convert_element_type3A = arith.extui %eq3A_0 : i1 to i32
    %cond3A = arith.constant 0 : i32
    %cond3A_1 = arith.cmpi ne, %convert_element_type3A, %cond3A : i32
    scf.if %cond3A_1 {
      %get3A_32 = arith.constant 0 : index
      %get3A_33 = arith.constant 0 : index
      %get3A_34 = vector.load %arg1[%get3A_32, %get3A_33] : memref<1024x32xf32, #tpu.memory_space<vmem>>, vector<1024x32xf32>
      %mul3A_35 = arith.mulf %get3A_34, %get3A_34 : vector<1024x32xf32>
      %reduce_sum3A_36 = arith.constant dense<0.000000e+00> : vector<1024xf32>
      %reduce_sum3A_37 = vector.multi_reduction <add>, %mul3A_35, %reduce_sum3A_36 [1] : vector<1024x32xf32> to vector<1024xf32>
      %broadcast_in_dim3A_38 = vector.shape_cast %reduce_sum3A_37 : vector<1024xf32> to vector<1024x1xf32>
      %sqrt3A_39 = math.sqrt %broadcast_in_dim3A_38 : vector<1024x1xf32>
      %add3A_40 = arith.constant 9.99999996E-13 : f32
      %add3A_41 = vector.broadcast %add3A_40 : f32 to vector<1024x1xf32>
      %add3A_42 = arith.addf %sqrt3A_39, %add3A_41 : vector<1024x1xf32>
      %div3A_43 = vector.broadcast %add3A_42 : vector<1024x1xf32> to vector<1024x32xf32>
      %div3A_44 = arith.divf %get3A_34, %div3A_43 : vector<1024x32xf32>
      %swap3A_45 = arith.constant 0 : index
      %swap3A_46 = arith.constant 0 : index
      %swap3A_47 = vector.load %arg5[%swap3A_45, %swap3A_46] : memref<1024x32xf32, #tpu.memory_space<vmem>>, vector<1024x32xf32>
      tpu.vector_store %arg5[%swap3A_45, %swap3A_46], %div3A_44 {strides = array<i32>} : memref<1024x32xf32, #tpu.memory_space<vmem>>, vector<1024x32xf32>,
    } else {
    }
    %get3A = arith.constant 0 : index
    %get3A_2 = arith.constant 0 : index
    %get3A_3 = vector.load %arg2[%get3A, %get3A_2] : memref<32x2048xf32, #tpu.memory_space<vmem>>, vector<32x2048xf32>
    %mul3A = arith.mulf %get3A_3, %get3A_3 : vector<32x2048xf32>
    %reduce_sum3A = arith.constant dense<0.000000e+00> : vector<2048xf32>
    %reduce_sum3A_4 = vector.multi_reduction <add>, %mul3A, %reduce_sum3A [0] : vector<32x2048xf32> to vector<2048xf32>
    %broadcast_in_dim3A = vector.shape_cast %reduce_sum3A_4 : vector<2048xf32> to vector<1x2048xf32>
    %sqrt3A = math.sqrt %broadcast_in_dim3A : vector<1x2048xf32>
    %add3A = arith.constant 9.99999996E-13 : f32
    %add3A_5 = vector.broadcast %add3A : f32 to vector<1x2048xf32>
    %add3A_6 = arith.addf %sqrt3A, %add3A_5 : vector<1x2048xf32>
    %div3A = arith.constant 1.000000e+00 : f32
    %div3A_7 = vector.broadcast %div3A : f32 to vector<1x2048xf32>
    %div3A_8 = arith.divf %div3A_7, %add3A_6 : vector<1x2048xf32>
    %get3A_9 = arith.constant 0 : index
    %get3A_10 = arith.constant 0 : index
    %get3A_11 = vector.load %arg5[%get3A_9, %get3A_10] : memref<1024x32xf32, #tpu.memory_space<vmem>>, vector<1024x32xf32>
    %mul3A_12 = vector.broadcast %div3A_8 : vector<1x2048xf32> to vector<32x2048xf32>
    %mul3A_13 = arith.mulf %get3A_3, %mul3A_12 : vector<32x2048xf32>
    %dot_general3A = arith.constant dense<0.000000e+00> : vector<1024x2048xf32>
    %dot_general3A_14 = tpu.matmul %get3A_11, %mul3A_13, %dot_general3A {dimension_numbers = #tpu.dot_dimension_numbers<[1], [0], [0], [1], [0, 0, 1, 1], [], []>, transpose_lhs_hint = false} : vector<1024x32xf32>, vector<32x2048xf32>, vector<1024x2048xf32> -> vector<1024x2048xf32>
    %iota3A = tpu.iota {dimensions = array<i32: 1>} : vector<1x2048xi32>
    %mul3A_15 = arith.constant 2048 : i32
    %mul3A_16 = arith.muli %arg0, %mul3A_15 : i32
    %add3A_17 = vector.broadcast %mul3A_16 : i32 to vector<1x2048xi32>
    %add3A_18 = arith.addi %iota3A, %add3A_17 : vector<1x2048xi32>
    %lt3A = arith.constant 50848 : i32
    %lt3A_19 = vector.broadcast %lt3A : i32 to vector<1x2048xi32>
    %lt3A_20 = arith.cmpi slt, %add3A_18, %lt3A_19 : vector<1x2048xi32>
    %jit3A = arith.constant 0xFF800000 : f32
    %broadcast_in_dim3A_21 = vector.shape_cast %lt3A_20 : vector<1x2048xi1> to vector<1x2048xi1>
    %broadcast_in_dim3A_22 = vector.broadcast %broadcast_in_dim3A_21 : vector<1x2048xi1> to vector<1024x2048xi1>
    %broadcast_in_dim3A_23 = vector.broadcast %jit3A : f32 to vector<1024x2048xf32>
    %select_n3A = arith.select %broadcast_in_dim3A_22, %dot_general3A_14, %broadcast_in_dim3A_23 : vector<1024x2048xi1>, vector<1024x2048xf32>
    %swap3A = arith.constant 0 : index
    %swap3A_24 = arith.constant 0 : index
    %swap3A_25 = vector.load %arg3[%swap3A, %swap3A_24] : memref<1024x2048xf32, #tpu.memory_space<vmem>>, vector<1024x2048xf32>
    tpu.vector_store %arg3[%swap3A, %swap3A_24], %select_n3A {strides = array<i32>} : memref<1024x2048xf32, #tpu.memory_space<vmem>>, vector<1024x2048xf32>,
    %reshape3A = vector.shape_cast %select_n3A : vector<1024x2048xf32> to vector<1024x16x128xf32>
    %reduce_max3A = arith.constant dense<0xFF800000> : vector<1024x16xf32>
    %reduce_max3A_26 = vector.multi_reduction <maximumf>, %reshape3A, %reduce_max3A [2] : vector<1024x16x128xf32> to vector<1024x16xf32>
    %broadcast_in_dim3A_27 = vector.shape_cast %reduce_max3A_26 : vector<1024x16xf32> to vector<1x1024x16xf32>
    %swap3A_28 = arith.constant 0 : index
    %swap3A_29 = arith.constant 0 : index
    %swap3A_30 = arith.constant 0 : index
    %swap3A_31 = vector.load %arg4[%swap3A_28, %swap3A_29, %swap3A_30] : memref<1x1024x16xf32, #tpu.memory_space<vmem>>, vector<1x1024x16xf32>
    tpu.vector_store %arg4[%swap3A_28, %swap3A_29, %swap3A_30], %broadcast_in_dim3A_27 {strides = array<i32>} : memref<1x1024x16xf32, #tpu.memory_space<vmem>>, vector<1x1024x16xf32>,
    return
  }
  func.func @transform_0(%arg0: i32) -> (i32, i32) {
    %c0_i32 = arith.constant 0 : i32
    %c0_i32_0 = arith.constant 0 : i32
    %c0_i32_1 = arith.constant 0 : i32
    return %c0_i32, %c0_i32_0 : i32, i32
  }
  func.func @transform_1(%arg0: i32) -> (i32, i32) {
    %c0_i32 = arith.constant 0 : i32
    %c0_i32_0 = arith.constant 0 : i32
    return %c0_i32, %arg0 : i32, i32
  }
  func.func @transform_2(%arg0: i32) -> (i32, i32) {
    %c0_i32 = arith.constant 0 : i32
    %c0_i32_0 = arith.constant 0 : i32
    return %c0_i32, %arg0 : i32, i32
  }
  func.func @transform_3(%arg0: i32) -> (i32, i32, i32) {
    %c0_i32 = arith.constant 0 : i32
    %c0_i32_0 = arith.constant 0 : i32
    %c0_i32_1 = arith.constant 0 : i32
    return %arg0, %c0_i32, %c0_i32_0 : i32, i32, i32
  }
}

</mosaic_0001>

<sc_bundles>
// kernel: kernel.6.cloned.1.call-start
scs
__scs_entry_jumppad:
0x0: {  	(pc) =	sbr.rel $0x88, $3  }
0x1: {  	(tag) =	ssettag $0x0;
	lr =	simm.s32 $0x1  }
0x2: {  	[smem:$0x3F9F] =	sst lr;
	_ =	strace $0xD0000000  }
0x3: {  	_ = 	snop  }
0x4: {  	_ = 	snop  }
0x5: {  	_ = 	snop  }
0x6: {  	_ = 	snop  }
0x7: {  	_ = 	snop  }
__scs_overlays_trampoline_lowered:
0x8: {  	[smem:$0x3FAE] =	sst s0  }
0x9: {  	[smem:$0x3FAF] =	sst s1  }
0xa: {  	[smem:$0x3FB0] =	sst s2  }
0xb: {  	[smem:$0x3FB1] =	sst s3  }
0xc: {  	[smem:$0x3FB2] =	sst s4  }
0xd: {  	[smem:$0x3FB3] =	sst s5  }
0xe: {  	[smem:$0x3FB4] =	sst s6  }
0xf: {  	[smem:$0x3FB5] =	sst s7  }
0x10: {  	[smem:$0x3FB6] =	sst s8  }
0x11: {  	[smem:$0x3FB7] =	sst s9;
	s0 =	simm.s32 @!p0 $0x0  }
0x12: {  	s1 =	sld [smem:$0x3F9D];
	s0 =	simm.s32 @p0 $0x1  }
0x13: {  	[smem:$0x3FB8] =	sst s0;
	s0 =	simm.s32 @!p1 $0x0  }
0x14: {  	s2 =	sld [smem:$0x3F9C];
	s0 =	simm.s32 @p1 $0x1  }
0x15: {  	[smem:$0x3FB9] =	sst s0;
	s0 =	simm.s32 @!p2 $0x0  }
0x16: {  	s3 =	sld [smem:$0x3FDB];
	s0 =	simm.s32 @p2 $0x1  }
0x17: {  	s4 =	simm.s32 $0x1BF5;
	[smem:$0x3FBB] =	sst s0  }
0x18: {  	s0 =	sld [smem:$0x3F9E];
	_ =	swait.ge [sflag:s4], $0x0  }
0x19: {  	s7 =	sld [smem:$0x3F9F]  }
0x1a: {  	s8 =	sadd.s32 $0xFFFFE003, lr  }
0x1b: {  	s9 =	sadd.s32 $0xFFFFFEF7, lr;
	s5 =	simm.s32 $0xFFFFFFFF;
	p2 =	slt.u32 s8, $0xFFFFF086  }
0x1c: {  	p1 =	slt.u32 s9, $0xF7A;
	s5 =	simm.s32 @!p2 $0x0  }
0x1d: {  	s5 =	simm.s32 @p1 $0x1;
	p0 =	seq.s32 s7, s2  }
0x1e: {  	s7 =	smul.u32 @!p0 $0xF7A, s2;
	p2 =	seq.s32 @!p0 s5, $0x0  }
0x1f: {  	s9 =	smul.u32 $0xF7A, s1;
	s8 =	simm.s32 @!p0 $0x1BF5;
	p2 =	por !p2, p0  }
0x20: {  	[sflag:s8] =	ssyncset.s32 @!p0 $0xFFFFF086;
	s6 =	sadd.s32 @!p0 s3, s7;
	s7 =	simm.s32 @!p0 $0x108  }
0x21: {  	s3 =	sadd.s32 s3, s9;
	s6 =	sadd.s32 @!p0 $0x88, s6;
	s7 =	simm.s32 @p2 $0x1082  }
0x22: {  	[simem:s7], [sflag:s8] =	dma.local @!p0 [hbm:s6], $0xF7A  }
0x23: {  	s9 =	sor.u32 $0xD0000000, s2;
	s6 =	simm.s32 $0x108;
	_ =	swait.ge @!p0 [sflag:s8], $0x0  }
0x24: {  	s3 =	sadd.s32 $0x88, s3;
	s6 =	simm.s32 @!p1 $0x1082;
	[sflag:s4] =	ssyncset.s32 $0xFFFFF086  }
0x25: {  	[simem:s6], [sflag:s4] =	dma.local [hbm:s3], $0xF7A  }
0x26: {  	[smem:$0x3F9F] =	sst s1;
	(tag) =	ssettag s2;
	_ =	strace s9  }
0x27: {  	s1 =	sld [smem:$0x3FAF]  }
0x28: {  	s2 =	sld [smem:$0x3FB0]  }
0x29: {  	s4 =	sld [smem:$0x3FB2]  }
0x2a: {  	p0 =	seq.s32 s5, $0x0;
	s5 =	sld [smem:$0x3FB3]  }
0x2b: {  	s6 =	sld [smem:$0x3FB4]  }
0x2c: {  	s7 =	sld [smem:$0x3FB5]  }
0x2d: {  	s3 =	simm.s32 $0x108;
	s8 =	sld [smem:$0x3FB6]  }
0x2e: {  	s3 =	simm.s32 @!p0 $0x1082;
	s9 =	sld [smem:$0x3FB7]  }
0x2f: {  	lr =	sadd.s32 s0, s3;
	s0 =	sld [smem:$0x3FAE]  }
0x30: {  	s3 =	sld [smem:$0x3FB1]  }
0x31: {  	[smem:$0x3FBA] =	sst s10  }
0x32: {  	s10 =	sld [smem:$0x3FB8];
	_ =	sdelay $0x3  }
0x33: {  	p0 =	seq.s32 s10, $0x1;
	s10 =	sld [smem:$0x3FBA];
	_ =	sdelay $0x3  }
0x34: {  	[smem:$0x3FBA] =	sst s10  }
0x35: {  	s10 =	sld [smem:$0x3FB9];
	_ =	sdelay $0x3  }
0x36: {  	p1 =	seq.s32 s10, $0x1;
	s10 =	sld [smem:$0x3FBA];
	_ =	sdelay $0x3  }
0x37: {  	[smem:$0x3FBA] =	sst s10  }
0x38: {  	s10 =	sld [smem:$0x3FBB]  }
0x39: {  	_ = 	snop;
	(pc) =	sbr.ind lr, $3  }
0x3a: {  	_ = 	snop  }
0x3b: {  	_ = 	snop  }
0x3c: {  	p2 =	seq.s32 s10, $0x1;
	s10 =	sld [smem:$0x3FBA]  }
0x3d: {  	_ =	shalt  }
0x3e: {  	_ =	shalt  }
0x3f: {  	_ =	shalt  }
0x40: {  	_ =	shalt  }
0x41: {  	_ =	shalt  }
0x42: {  	_ =	shalt  }
0x43: {  	_ =	shalt  }
0x44: {  	_ =	shalt  }
0x45: {  	_ =	shalt  }
0x46: {  	_ =	shalt  }
0x47: {  	_ =	shalt  }
0x48: {  	_ =	shalt  }
0x49: {  	_ =	shalt  }
0x4a: {  	_ =	shalt  }
0x4b: {  	_ =	shalt  }
0x4c: {  	_ =	shalt  }
0x4d: {  	_ =	shalt  }
0x4e: {  	_ =	shalt  }
0x4f: {  	_ =	shalt  }
0x50: {  	_ =	shalt  }
0x51: {  	_ =	shalt  }
0x52: {  	_ =	shalt  }
0x53: {  	_ =	shalt  }
0x54: {  	_ =	shalt  }
0x55: {  	_ =	shalt  }
0x56: {  	_ =	shalt  }
0x57: {  	_ =	shalt  }
0x58: {  	_ =	shalt  }
0x59: {  	_ =	shalt  }
0x5a: {  	_ =	shalt  }
0x5b: {  	_ =	shalt  }
0x5c: {  	_ =	shalt  }
0x5d: {  	_ =	shalt  }
0x5e: {  	_ =	shalt  }
0x5f: {  	_ =	shalt  }
0x60: {  	_ =	shalt  }
0x61: {  	_ =	shalt  }
0x62: {  	_ =	shalt  }
0x63: {  	_ =	shalt  }
0x64: {  	_ =	shalt  }
0x65: {  	_ =	shalt  }
0x66: {  	_ =	shalt  }
0x67: {  	_ =	shalt  }
0x68: {  	_ =	shalt  }
0x69: {  	_ =	shalt  }
0x6a: {  	_ =	shalt  }
0x6b: {  	_ =	shalt  }
0x6c: {  	_ =	shalt  }
0x6d: {  	_ =	shalt  }
0x6e: {  	_ =	shalt  }
0x6f: {  	_ =	shalt  }
0x70: {  	_ =	shalt  }
0x71: {  	_ =	shalt  }
0x72: {  	_ =	shalt  }
0x73: {  	_ =	shalt  }
0x74: {  	_ =	shalt  }
0x75: {  	_ =	shalt  }
0x76: {  	_ =	shalt  }
0x77: {  	_ =	shalt  }
0x78: {  	_ =	shalt  }
0x79: {  	_ =	shalt  }
0x7a: {  	_ =	shalt  }
0x7b: {  	_ =	shalt  }
0x7c: {  	_ =	shalt  }
0x7d: {  	_ =	shalt  }
0x7e: {  	_ =	shalt  }
0x7f: {  	_ =	shalt  }
0x80: {  	_ =	shalt  }
0x81: {  	_ =	shalt  }
0x82: {  	_ =	shalt  }
0x83: {  	_ =	shalt  }
0x84: {  	_ =	shalt  }
0x85: {  	_ =	shalt  }
0x86: {  	_ =	shalt  }
0x87: {  	_ =	shalt  }
.Lfunc_end0:
.L_simem_size_0:
called_computation_lowered:
.L_overlay_start_0:
0x88: {  	s2 =	sld [smem:$0x3FD9]  }
0x89: {  	s3 =	sld [smem:$0x3FFE];
	_ =	sdelay $0x1  }
0x8a: {  	s1 =	srdreg.scid  }
0x8b: {  	s0 =	sand.u32 $0x1, s1  }
0x8c: {  	s16 =	sshll.u32 s0, $0xA;
	s2 =	sadd.s32 s3, s2  }
0x8d: {  	s2 =	sadd.s32 s2, s16  }
0x8e: {  	[smem:$0x3FC6] =	sst s2  }
0x8f: {  	_ = 	snop  }
0x90: {  	(tm) =	ssettm $0x1  }
0x91: {  	s17 =	sld [smem:$0x3FFB];
	_ =	sdelay $0x3  }
0x92: {  	_ =	strace s17  }
0x93: {  	s2 =	sld [smem:$0x3FFC];
	_ =	sdelay $0x3  }
0x94: {  	_ =	strace s2  }
0x95: {  	s2 =	sld [smem:$0x3FFD];
	_ =	sdelay $0x3  }
0x96: {  	_ =	strace s2  }
0x97: {  	_ =	strace $0x8FFFFFFF  }
0x98: {  	s18 =	sld [smem:$0x3FDB];
	_ =	sdelay $0x1  }
0x99: {  	s19 =	simm.s32 $_scs_section_size  }
0x9a: {  	s4 =	simm.s32 $_size__tile_overlayer_lowered;
	s5 =	simm.s32 $_tile_overlayer_lowered  }
0x9b: {  	s22 =	simm.s32 $0x1BFF;
	s21 =	sshll.u32 s5, $0x1;
	s2 =	sadd.s32 s19, s18  }
0x9c: {  	s6 =	simm.s32 $0x0;
	s20 =	sshll.u32 s4, $0x1;
	s4 =	sadd.s32 s21, s2  }
0x9d: {  	[timem:s6], [sflag:s22] =	dma.local [hbm:s4], s20  }
0x9e: {  	_ =	swait.ge [sflag:s22], s20  }
0x9f: {  	s3 =	ssub.s32 $0x0, s20;
	[sflag:s22] =	ssyncset.done $0x0  }
0xa0: {  	[sflag:s22] =	ssyncadd.s32 s3;
	_ =	sdelay $0x1  }
0xa1: {  	s23 =	simm.s32 $0x1B8B  }
0xa2: {  	_ =	swait.ge [sflag:s23], $0x1  }
0xa3: {  	[sflag:s23] =	ssyncset.done $0x0  }
0xa4: {  	s25 =	simm.s32 $0x1B8E;
	s24 =	sld [smem:$0x3FFE];
	[sflag:s23] =	ssyncadd.s32 $0xFFFFFFFF  }
0xa5: {  	s26 =	simm.s32 $execute0_lowered;
	[smem:$0x3FD2] =	sst s25  }
0xa6: {  	s4 =	sshll.u32 s26, $0x1;
	_ =	strace $0x80000046;
	[dreg:$0x1] =	wrdreg $0xFFFFFFFF  }
0xa7: {  	s28 =	simm.s32 $_size_execute0_lowered;
	s2 =	sadd.s32 s2, s4;
	[dreg:$0x0] =	wrdreg $0x0  }
0xa8: {  	s4 =	sshll.u32 s28, $0x1;
	[dreg:$0x2] =	wrdreg s2  }
0xa9: {  	[dreg:$0x3] =	wrdreg s4  }
0xaa: {  	[dreg:$0x4] =	wrdreg $0xC0  }
0xab: {  	_ =	task [dreg:s6], $0x5FFFF  }
0xac: {  	[dreg:$0x1] =	wrdreg $0xFFFFFFFF  }
0xad: {  	[dreg:$0x0] =	wrdreg $0x60  }
0xae: {  	[dreg:$0x2] =	wrdreg s24  }
0xaf: {  	[dreg:$0x3] =	wrdreg $0x9  }
0xb0: {  	_ =	task.clear_ibuf [dreg:s6], $0x4FFFF;
	_ =	strace $0x90000046  }
0xb1: {  	s29 =	simm.s32 $0x9;
	_ =	strace $0x80000048  }
0xb2: {  	_ =	swait.ge [sflag:s29], $0x1  }
0xb3: {  	[sflag:s29] =	ssyncadd.s32 $0xFFFFFFFF  }
0xb4: {  	_ =	strace $0x90000048  }
0xb5: {  	_ =	sfence  }
0xb6: {  	s30 =	sld [smem:$0x0];
	_ =	sdelay $0x2  }
0xb7: {  	s31 =	sshll.u32 s1, $0xD;
	s1 =	sshrl.u32 s1, $0x2  }
0xb8: {  	s3 =	sand.u32 $0x4000, s31;
	s1 =	sadd.s32 s1, s30  }
0xb9: {  	s0 =	sor.u32 s3, s0;
	s1 =	sshll.u32 s1, $0x11  }
0xba: {  	s0 =	sor.u32 s1, s0  }
0xbb: {  	s0 =	sadd.s32 $0x8F2B, s0  }
0xbc: {  	[sflag:s0] =	ssyncadd.remote.s32 $0x1  }
0xbd: {  	_ =	sfence.sel $0xFFFF  }
0xbe: {  	[dreg:$0x0] =	wrdreg $0xFFFFFFFF;
	(pc) =	sbr.abs _section_cstart, $3  }
0xbf: {  	[dreg:$0x1] =	wrdreg $0xFFFFFFFF  }
0xc0: {  	_ =	task.clear_ibuf [dreg:s6], $0x2FFFF;
	_ =	strace $0x9FFFFFFF  }
0xc1: {  	(tm) =	ssettm $0x7FFFFFFF  }
tec
execute0_lowered:
.L_overlay_start_1:
0x0: {  	(tag) =	ssettag $0x1  }
0x1: {  	s1 =	srdreg.scid  }
0x2: {  	s0 =	stileid.u32;
	s4 =	rddreg [dreg:$0x0];
	s2 =	simm.s32 $0x0  }
0x3: {  	s10 =	simm.s32 $0x10;
	s11 =	simm.s32 $0x3080;
	s12 =	simm.s32 $0x3100  }
0x4: {  	s13 =	simm.s32 $0x3980;
	s14 =	simm.s32 $0x3A00;
	s15 =	simm.s32 $0x1  }
0x5: {  	s16 =	simm.s32 $0x3000;
	s17 =	simm.s32 $0x2;
	s18 =	simm.s32 $0x3900  }
0x6: {  	s19 =	simm.s32 $0x4200;
	s3 =	sand.u32 $0x1, s1;
	s5 =	sshll.u32 s0, $0x1  }
0x7: {  	s20 =	simm.s32 $0x4400;
	s1 =	rddreg [dreg:$0x1];
	s5 =	sor.u32 s3, s5  }
0x8: {  	s21 =	simm.s32 $0x0;
	[smem:$0x7FF] =	sst s2;
	s6 =	smul.u32 $0x600, s5  }
.Ltmp0:
0x9: {  	_ =	strace $0x80000047;
	s7 =	ssub.s32 $0x2, s3;
	(pc) =	sbr.rel .LBB2_1-.Ltmp0, $4  }
0xa: {  	s3 =	sadd.s32 $0x611A00, s4;
	s8 =	sshll.u32 s5, $0x6;
	s9 =	sshrl.u32 s7, $0x1  }
0xb: {  	s8 =	sadd.s32 s8, s4;
	s9 =	ssub.s32 s7, s9;
	s6 =	sadd.s32 s6, s4  }
0xc: {  	s4 =	sshll.u32 s5, $0x5;
	s7 =	sadd.s32 $0x6200, s8;
	s5 =	sadd.s32 $0x605A00, s6  }
0xd: {  	v0 =	vlaneseq.u32;
	s6 =	sadd.s32 $0x5A00, s8;
	s8 =	smax.u32 s9, $0x1;
	s9 =	simm.s32 $0x3  }
.LBB2_24:
0xe: {  	[tilespmem:$0x43F0] =	vst v3  }
0xf: {  	[tilespmem:$0x45F0] =	vst v2  }
0x10: {  	[hbm4b:s6+s2] =	stream.linear.scatter [tilespmem:s19], [sflag:$0x3], $0x200, $0x38;
	[tilespmem:$0x4600] =	vst v63  }
0x11: {  	s21 =	sadd.s32 $0x1, s21;
	_ =	swait.ge [sflag:s9], $0x200  }
0x12: {  	p0 =	sne.s32 s21, s8;
	[sflag:s9] =	ssyncset.done $0x0  }
.Ltmp1:
0x13: {  	[sflag:s9] =	ssyncadd.s32 $0xFFFFFE00;
	(pc) =	sbr.rel @!p0 .LBB2_25-.Ltmp1, $4  }
0x14: {  	[hbm4b:s7+s2] =	stream.linear.scatter [tilespmem:s20], [sflag:$0x3], $0x200, $0x38;
	[tilespmem:$0x4600] =	vst v63  }
0x15: {  	_ =	swait.ge [sflag:s9], $0x200  }
0x16: {  	[sflag:s9] =	ssyncset.done $0x0  }
0x17: {  	[sflag:s9] =	ssyncadd.s32 $0xFFFFFE00  }
.LBB2_1:
.Ltmp2:
0x18: {  	(pc) =	sbr.rel .LBB2_2-.Ltmp2, $4  }
0x19: {  	[tilespmem:s2], [sflag:$0x3] =	stream.linear.gather [hbm4b:s5+s2], $0x3000, $0x38;
	[tilespmem:$0x4600] =	vst v63  }
0x1a: {  	_ =	swait.ge [sflag:s9], $0x3000  }
0x1b: {  	s22 =	simm.s32 $0x180;
	[sflag:s9] =	ssyncset.done $0x0  }
0x1c: {  	v2 =	vimm.f32 $-Inf;
	s23 =	simm.s32 $0x0;
	v1 =	vimm.f32 $-Inf;
	s24 =	simm.s32 $0x0;
	[sflag:s9] =	ssyncadd.s32 $0xFFFFD000  }
.LBB2_18:
0x1d: {  	s25 =	sshll.u32 s24, $0x5;
	s24 =	sadd.s32 $0x1, s24  }
0x1e: {  	p0 =	sne.s32 s24, $0x10  }
.Ltmp3:
0x1f: {  	_ = 	snop;
	(pc) =	sbr.rel @!p0 .LBB2_19-.Ltmp3, $3  }
0x20: {  	_ =	sdelay $0x1  }
0x21: {  	[tilespmem:s25+$0x4200] =	vst v5  }
0x22: {  	s23 =	sadd.s32 $0x300, s23;
	s22 =	sadd.s32 $0x300, s22;
	[tilespmem:s25+$0x4400] =	vst v4  }
.LBB2_2:
0x23: {  	s25 =	simm.s32 $0x0;
	s26 =	sadd.s32 $0x0, s23  }
0x24: {  	s26 =	sand.u32 $0x7F80, s26;
	s28 =	sand.u32 $0x70, s25  }
0x25: {  	s26 =	sor.u32 s28, s26  }
0x26: {  	v3 =	vld [tilespmem:s26+$0x0];
	_ =	sdelay $0x2  }
0x27: {  	v4 =	vbroadcast v2, $0x9;
	_ =	sdelay $0x1  }
0x28: {  	vm0 =	vgt.f32 v3, v4  }
0x29: {  	v4 =	vmpcnt.ones.xlane vm0;
	_ =	sdelay $0x1  }
0x2a: {  	(v2sf) =	vpush v4, $0x0;
	_ =	sdelay $0xe  }
0x2b: {  	s31 =	spop (v2sf)  }
0x2c: {  	p0 =	slt.s32 s31, $0x1  }
0x2d: {  	v4 =	vlaneseq.u32 @!p0  }
0x2e: {  	v4 =	vor.u32 @!p0 s25, v4  }
0x2f: {  	(xrf1) =	vsort.ascd.msk.f32 @!p0 $0xffff, v3, v4;
	_ =	sdelay $0xd  }
0x30: {  	v3, v5, _ =	vpop @!p0 (xrf1)  }
0x31: {  	v4 =	vimm.s32 $0x0;
	vm0 =	vge.f32 @!p0 v2, v3  }
0x32: {  	v3 =	vsel @!p0 vm0, v2, v3;
	v5 =	vsel @!p0 vm0, v4, v5  }
0x33: {  	s25 =	simm.s32 $0x10;
	(xrf1) =	vsort.dscd.msk.f32 @!p0 $0xffff, v3, v5;
	v3 =	vimm.f32 $-Inf  }
.LBB2_3:
0x34: {  	_ =	sdelay $0x8  }
0x35: {  	s26 =	sadd.s32 s25, s23;
	s28 =	smov.u32 s25;
	s25 =	sadd.s32 $0x10, s25  }
0x36: {  	s26 =	sand.u32 $0x7F80, s26;
	s29 =	sand.u32 $0x70, s28;
	p1 =	sne.s32 s25, $0x180  }
0x37: {  	s26 =	sor.u32 s29, s26  }
0x38: {  	v5 =	vld [tilespmem:s26+$0x0]  }
0x39: {  	v6, v7, _ =	vpop @!p0 (xrf1)  }
0x3a: {  	v3 =	vpsel p0, v3, v6;
	v4 =	vpsel p0, v4, v7  }
0x3b: {  	v6 =	vbroadcast v3, $0x9;
	_ =	sdelay $0x1  }
0x3c: {  	vm0 =	vgt.f32 v5, v6  }
0x3d: {  	v6 =	vmpcnt.ones.xlane vm0;
	_ =	sdelay $0x1  }
0x3e: {  	(v2sf) =	vpush v6, $0x0;
	_ =	sdelay $0xe  }
0x3f: {  	s26 =	spop (v2sf)  }
0x40: {  	p0 =	slt.s32 s26, $0x1  }
0x41: {  	v6 =	vlaneseq.u32 @!p0  }
0x42: {  	v6 =	vor.u32 @!p0 s28, v6  }
0x43: {  	(xrf1) =	vsort.ascd.msk.f32 @!p0 $0xffff, v5, v6;
	_ =	sdelay $0xc  }
.Ltmp4:
0x44: {  	(pc) =	sbr.rel @p1 .LBB2_3-.Ltmp4, $4  }
0x45: {  	v5, v6, _ =	vpop @!p0 (xrf1)  }
0x46: {  	vm0 =	vge.f32 @!p0 v3, v5  }
0x47: {  	v5 =	vsel @!p0 vm0, v3, v5;
	v6 =	vsel @!p0 vm0, v4, v6  }
0x48: {  	(xrf1) =	vsort.dscd.msk.f32 @!p0 $0xffff, v5, v6  }
0x49: {  	_ =	sdelay $0x9  }
0x4a: {  	s25 =	sshll.u32 s24, $0x1  }
0x4b: {  	s25 =	sadd.s32 s4, s25  }
0x4c: {  	p1 =	seq.s32 s24, $0x0;
	s25 =	smul.u32 $0x180, s25  }
.Ltmp5:
0x4d: {  	v5, v6, _ =	vpop @!p0 (xrf1);
	(pc) =	sbr.rel @p1 .LBB2_11-.Ltmp5, $4  }
0x4e: {  	v4 =	vpsel p0, v4, v6  }
0x4f: {  	[tilespmem:$0x3000] =	vst v4;
	v4 =	vadd.s32 s25, v4  }
0x50: {  	[tilespmem:$0x3080] =	vst v4  }
0x51: {  	v3 =	vpsel p0, v3, v5;
	[tilespmem:s12], [sflag:$0x1] =	stream.indirect.gather [hbm4b:s3+s10], $0x80, s11, s10, $0xb8;
	[tilespmem:$0x4600] =	vst v63  }
0x52: {  	_ =	swait.ge [sflag:s17], $0x800  }
0x53: {  	[sflag:s17] =	ssyncset.done $0x0  }
0x54: {  	v4 =	vimm.s32 $0x0;
	v5 =	vimm.f32 $-Inf;
	s25 =	simm.s32 $0x0;
	s26 =	simm.s32 $0x3A00;
	[sflag:s17] =	ssyncadd.s32 $0xFFFFF800  }
.LBB2_6:
0x55: {  	v6 =	vbroadcast v5, $0x9;
	_ =	sdelay $0x1  }
0x56: {  	vm0 =	vgt.f32 v1, v6  }
0x57: {  	v7 =	vmpcnt.ones.xlane vm0;
	_ =	sdelay $0x1  }
0x58: {  	(v2sf) =	vpush v7, $0x0;
	_ =	sdelay $0xe  }
0x59: {  	p0 =	sgt.u32 s25, $0xF;
	s28 =	spop (v2sf)  }
0x5a: {  	p1 =	sle.s32 @!p0 s28, s25  }
0x5b: {  	p0 =	por p0, p1  }
.Ltmp6:
0x5c: {  	_ = 	snop;
	(pc) =	sbr.rel @p0 .LBB2_10-.Ltmp6, $1  }
0x5d: {  	_ =	sdelay $0x3  }
0x5e: {  	v7 =	vld [tilespmem:s26+$0x0];
	_ =	sdelay $0x4  }
0x5f: {  	vm0 =	vgt.f32 v7, v6  }
0x60: {  	v6 =	vmpcnt.ones.xlane vm0;
	_ =	sdelay $0x1  }
0x61: {  	(v2sf) =	vpush v6, $0x0;
	_ =	sdelay $0x4  }
0x62: {  	v6 =	vmov s25;
	_ =	sdelay $0x4  }
0x63: {  	v6 =	vld.idx.msk [tilespmem:v6+s18+$0x0], $0xffff;
	_ =	sdelay $0x4  }
0x64: {  	v6 =	vshll.u32 v6, $0x7;
	s28 =	spop (v2sf)  }
0x65: {  	s29 =	simm.s32 $0x0;
	v6 =	vor.u32 v0, v6;
	p1 =	slt.s32 s28, $0x1  }
0x66: {  	v8 =	vadd.s32 @!p1 s29, v6  }
0x67: {  	(xrf1) =	vsort.ascd.msk.f32 @!p1 $0xffff, v7, v8;
	_ =	sdelay $0xd  }
0x68: {  	v7, v8, _ =	vpop @!p1 (xrf1)  }
0x69: {  	vm0 =	vge.f32 @!p1 v5, v7  }
0x6a: {  	v7 =	vsel @!p1 vm0, v5, v7;
	v8 =	vsel @!p1 vm0, v4, v8  }
0x6b: {  	(xrf1) =	vsort.dscd.msk.f32 @!p1 $0xffff, v7, v8;
	_ =	sdelay $0xb  }
0x6c: {  	s28 =	simm.s32 $0x10;
	s29 =	sadd.s32 $0x10, s26  }
.LBB2_8:
0x6d: {  	v7 =	vld [tilespmem:s29+$0x0];
	s30 =	smov.u32 s28;
	s28 =	sadd.s32 $0x10, s28  }
0x6e: {  	p0 =	sne.s32 s28, $0x80;
	v8, v9, _ =	vpop @!p1 (xrf1)  }
0x6f: {  	v5 =	vpsel p1, v5, v8;
	v4 =	vpsel p1, v4, v9  }
0x70: {  	v8 =	vbroadcast v5, $0x9;
	_ =	sdelay $0x1  }
0x71: {  	vm0 =	vgt.f32 v7, v8  }
0x72: {  	v8 =	vmpcnt.ones.xlane vm0;
	_ =	sdelay $0x1  }
0x73: {  	(v2sf) =	vpush v8, $0x0;
	_ =	sdelay $0xe  }
0x74: {  	s31 =	spop (v2sf)  }
0x75: {  	p1 =	slt.s32 s31, $0x1  }
0x76: {  	v8 =	vadd.s32 @!p1 s30, v6  }
0x77: {  	(xrf1) =	vsort.ascd.msk.f32 @!p1 $0xffff, v7, v8;
	_ =	sdelay $0xd  }
0x78: {  	v7, v8, _ =	vpop @!p1 (xrf1)  }
0x79: {  	vm0 =	vge.f32 @!p1 v5, v7  }
0x7a: {  	v7 =	vsel @!p1 vm0, v5, v7;
	v8 =	vsel @!p1 vm0, v4, v8  }
0x7b: {  	(xrf1) =	vsort.dscd.msk.f32 @!p1 $0xffff, v7, v8;
	_ =	sdelay $0x7  }
.Ltmp7:
0x7c: {  	(pc) =	sbr.rel @p0 .LBB2_8-.Ltmp7, $2  }
0x7d: {  	_ =	sdelay $0x2  }
0x7e: {  	s29 =	sadd.s32 $0x10, s29  }
.Ltmp8:
0x7f: {  	(pc) =	sbr.rel .LBB2_6-.Ltmp8, $3  }
0x80: {  	_ =	sdelay $0x1  }
0x81: {  	v6, v7, _ =	vpop @!p1 (xrf1)  }
0x82: {  	s25 =	sadd.s32 $0x1, s25;
	s26 =	sadd.s32 $0x80, s26;
	v5 =	vpsel p1, v5, v6;
	v4 =	vpsel p1, v4, v7  }
.LBB2_10:
0x83: {  	s25 =	sshll.u32 s24, $0x5  }
0x84: {  	[tilespmem:s25+$0x41F0] =	vst v5  }
0x85: {  	[tilespmem:s25+$0x43F0] =	vst v4  }
.LBB2_11:
0x86: {  	s25 =	simm.s32 $0x0;
	s26 =	sadd.s32 $0x0, s22  }
0x87: {  	s26 =	sand.u32 $0x7F80, s26;
	s28 =	sand.u32 $0x70, s25  }
0x88: {  	s26 =	sor.u32 s28, s26  }
0x89: {  	v4 =	vld [tilespmem:s26+$0x0];
	_ =	sdelay $0x1  }
0x8a: {  	v1 =	vimm.f32 $-Inf  }
0x8b: {  	v5 =	vbroadcast v1, $0x9;
	_ =	sdelay $0x1  }
0x8c: {  	vm0 =	vgt.f32 v4, v5  }
0x8d: {  	v5 =	vmpcnt.ones.xlane vm0;
	_ =	sdelay $0x1  }
0x8e: {  	(v2sf) =	vpush v5, $0x0;
	_ =	sdelay $0xe  }
0x8f: {  	s31 =	spop (v2sf)  }
0x90: {  	p0 =	slt.s32 s31, $0x1  }
0x91: {  	v5 =	vlaneseq.u32 @!p0  }
0x92: {  	v5 =	vor.u32 @!p0 s25, v5  }
0x93: {  	(xrf1) =	vsort.ascd.msk.f32 @!p0 $0xffff, v4, v5;
	_ =	sdelay $0xd  }
0x94: {  	v5, v6, _ =	vpop @!p0 (xrf1)  }
0x95: {  	v4 =	vimm.s32 $0x0;
	vm0 =	vge.f32 @!p0 v1, v5  }
0x96: {  	v5 =	vsel @!p0 vm0, v1, v5;
	v6 =	vsel @!p0 vm0, v4, v6  }
0x97: {  	s26 =	simm.s32 $0x10;
	s25 =	sshllo.u32 s24, $0x1;
	(xrf1) =	vsort.dscd.msk.f32 @!p0 $0xffff, v5, v6  }
.LBB2_12:
0x98: {  	_ =	sdelay $0x8  }
0x99: {  	s28 =	sadd.s32 s26, s22;
	s29 =	smov.u32 s26;
	s26 =	sadd.s32 $0x10, s26  }
0x9a: {  	s28 =	sand.u32 $0x7F80, s28;
	s30 =	sand.u32 $0x70, s29;
	p1 =	sne.s32 s26, $0x180  }
0x9b: {  	s28 =	sor.u32 s30, s28  }
0x9c: {  	v5 =	vld [tilespmem:s28+$0x0]  }
0x9d: {  	v6, v7, _ =	vpop @!p0 (xrf1)  }
0x9e: {  	v1 =	vpsel p0, v1, v6;
	v4 =	vpsel p0, v4, v7  }
0x9f: {  	v6 =	vbroadcast v1, $0x9;
	_ =	sdelay $0x1  }
0xa0: {  	vm0 =	vgt.f32 v5, v6  }
0xa1: {  	v6 =	vmpcnt.ones.xlane vm0;
	_ =	sdelay $0x1  }
0xa2: {  	(v2sf) =	vpush v6, $0x0;
	_ =	sdelay $0xe  }
0xa3: {  	s28 =	spop (v2sf)  }
0xa4: {  	p0 =	slt.s32 s28, $0x1  }
0xa5: {  	v6 =	vlaneseq.u32 @!p0  }
0xa6: {  	v6 =	vor.u32 @!p0 s29, v6  }
0xa7: {  	(xrf1) =	vsort.ascd.msk.f32 @!p0 $0xffff, v5, v6;
	_ =	sdelay $0xc  }
.Ltmp9:
0xa8: {  	(pc) =	sbr.rel @p1 .LBB2_12-.Ltmp9, $4  }
0xa9: {  	v5, v6, _ =	vpop @!p0 (xrf1)  }
0xaa: {  	vm0 =	vge.f32 @!p0 v1, v5  }
0xab: {  	v5 =	vsel @!p0 vm0, v1, v5;
	v6 =	vsel @!p0 vm0, v4, v6  }
0xac: {  	(xrf1) =	vsort.dscd.msk.f32 @!p0 $0xffff, v5, v6  }
0xad: {  	_ =	sdelay $0xb  }
0xae: {  	s25 =	sadd.s32 s4, s25  }
0xaf: {  	s25 =	smul.u32 $0x180, s25;
	v5, v6, _ =	vpop @!p0 (xrf1)  }
0xb0: {  	v4 =	vpsel p0, v4, v6  }
0xb1: {  	[tilespmem:$0x3900] =	vst v4;
	v4 =	vadd.s32 s25, v4  }
0xb2: {  	[tilespmem:$0x3980] =	vst v4  }
0xb3: {  	[tilespmem:s14], [sflag:$0x2] =	stream.indirect.gather [hbm4b:s3+s10], $0x80, s13, s10, $0xb8;
	[tilespmem:$0x4600] =	vst v63  }
0xb4: {  	_ =	swait.ge [sflag:s15], $0x800  }
0xb5: {  	[sflag:s15] =	ssyncset.done $0x0  }
0xb6: {  	s26 =	simm.s32 $0x3100;
	v1 =	vpsel p0, v1, v5;
	v5 =	vimm.f32 $-Inf;
	s25 =	simm.s32 $0x0;
	v4 =	vimm.s32 $0x0;
	[sflag:s15] =	ssyncadd.s32 $0xFFFFF800  }
.LBB2_14:
0xb7: {  	v6 =	vbroadcast v5, $0x9;
	_ =	sdelay $0x1  }
0xb8: {  	vm0 =	vgt.f32 v3, v6  }
0xb9: {  	v7 =	vmpcnt.ones.xlane vm0;
	_ =	sdelay $0x1  }
0xba: {  	(v2sf) =	vpush v7, $0x0;
	_ =	sdelay $0xe  }
0xbb: {  	p0 =	sgt.u32 s25, $0xF;
	s28 =	spop (v2sf)  }
0xbc: {  	p1 =	sle.s32 @!p0 s28, s25  }
0xbd: {  	p0 =	por p0, p1  }
.Ltmp10:
0xbe: {  	_ = 	snop;
	(pc) =	sbr.rel @p0 .LBB2_18-.Ltmp10, $1  }
0xbf: {  	_ =	sdelay $0x3  }
0xc0: {  	v7 =	vld [tilespmem:s26+$0x0];
	_ =	sdelay $0x4  }
0xc1: {  	vm0 =	vgt.f32 v7, v6  }
0xc2: {  	v6 =	vmpcnt.ones.xlane vm0;
	_ =	sdelay $0x1  }
0xc3: {  	(v2sf) =	vpush v6, $0x0;
	_ =	sdelay $0x4  }
0xc4: {  	v6 =	vmov s25;
	_ =	sdelay $0x4  }
0xc5: {  	v6 =	vld.idx.msk [tilespmem:v6+s16+$0x0], $0xffff;
	_ =	sdelay $0x4  }
0xc6: {  	v6 =	vshll.u32 v6, $0x7;
	s28 =	spop (v2sf)  }
0xc7: {  	s29 =	simm.s32 $0x0;
	v6 =	vor.u32 v0, v6;
	p1 =	slt.s32 s28, $0x1  }
0xc8: {  	v8 =	vadd.s32 @!p1 s29, v6  }
0xc9: {  	(xrf1) =	vsort.ascd.msk.f32 @!p1 $0xffff, v7, v8;
	_ =	sdelay $0xd  }
0xca: {  	v7, v8, _ =	vpop @!p1 (xrf1)  }
0xcb: {  	vm0 =	vge.f32 @!p1 v5, v7  }
0xcc: {  	v7 =	vsel @!p1 vm0, v5, v7;
	v8 =	vsel @!p1 vm0, v4, v8  }
0xcd: {  	(xrf1) =	vsort.dscd.msk.f32 @!p1 $0xffff, v7, v8;
	_ =	sdelay $0xb  }
0xce: {  	s28 =	simm.s32 $0x10;
	s29 =	sadd.s32 $0x10, s26  }
.LBB2_16:
0xcf: {  	v7 =	vld [tilespmem:s29+$0x0];
	s30 =	smov.u32 s28;
	s28 =	sadd.s32 $0x10, s28  }
0xd0: {  	p0 =	sne.s32 s28, $0x80;
	v8, v9, _ =	vpop @!p1 (xrf1)  }
0xd1: {  	v5 =	vpsel p1, v5, v8;
	v4 =	vpsel p1, v4, v9  }
0xd2: {  	v8 =	vbroadcast v5, $0x9;
	_ =	sdelay $0x1  }
0xd3: {  	vm0 =	vgt.f32 v7, v8  }
0xd4: {  	v8 =	vmpcnt.ones.xlane vm0;
	_ =	sdelay $0x1  }
0xd5: {  	(v2sf) =	vpush v8, $0x0;
	_ =	sdelay $0xe  }
0xd6: {  	s31 =	spop (v2sf)  }
0xd7: {  	p1 =	slt.s32 s31, $0x1  }
0xd8: {  	v8 =	vadd.s32 @!p1 s30, v6  }
0xd9: {  	(xrf1) =	vsort.ascd.msk.f32 @!p1 $0xffff, v7, v8;
	_ =	sdelay $0xd  }
0xda: {  	v7, v8, _ =	vpop @!p1 (xrf1)  }
0xdb: {  	vm0 =	vge.f32 @!p1 v5, v7  }
0xdc: {  	v7 =	vsel @!p1 vm0, v5, v7;
	v8 =	vsel @!p1 vm0, v4, v8  }
0xdd: {  	(xrf1) =	vsort.dscd.msk.f32 @!p1 $0xffff, v7, v8;
	_ =	sdelay $0x7  }
.Ltmp11:
0xde: {  	(pc) =	sbr.rel @p0 .LBB2_16-.Ltmp11, $2  }
0xdf: {  	_ =	sdelay $0x2  }
0xe0: {  	s29 =	sadd.s32 $0x10, s29  }
.Ltmp12:
0xe1: {  	(pc) =	sbr.rel .LBB2_14-.Ltmp12, $3  }
0xe2: {  	_ =	sdelay $0x1  }
0xe3: {  	v6, v7, _ =	vpop @!p1 (xrf1)  }
0xe4: {  	s25 =	sadd.s32 $0x1, s25;
	s26 =	sadd.s32 $0x80, s26;
	v5 =	vpsel p1, v5, v6;
	v4 =	vpsel p1, v4, v7  }
.LBB2_19:
0xe5: {  	_ =	swait.ge [sflag:s17], $0x800  }
0xe6: {  	[sflag:s17] =	ssyncset.done $0x0  }
0xe7: {  	v2 =	vimm.s32 $0x0;
	v3 =	vimm.f32 $-Inf;
	s22 =	simm.s32 $0x0;
	s23 =	simm.s32 $0x3A00;
	[sflag:s17] =	ssyncadd.s32 $0xFFFFF800  }
.LBB2_20:
0xe8: {  	v4 =	vbroadcast v3, $0x9;
	_ =	sdelay $0x1  }
0xe9: {  	vm0 =	vgt.f32 v1, v4  }
0xea: {  	v5 =	vmpcnt.ones.xlane vm0;
	_ =	sdelay $0x1  }
0xeb: {  	(v2sf) =	vpush v5, $0x0;
	_ =	sdelay $0xe  }
0xec: {  	p0 =	sgt.u32 s22, $0xF;
	s24 =	spop (v2sf)  }
0xed: {  	p1 =	sle.s32 @!p0 s24, s22  }
0xee: {  	p0 =	por p0, p1  }
.Ltmp13:
0xef: {  	_ = 	snop;
	(pc) =	sbr.rel @p0 .LBB2_24-.Ltmp13, $1  }
0xf0: {  	_ =	sdelay $0x3  }
0xf1: {  	v5 =	vld [tilespmem:s23+$0x0];
	_ =	sdelay $0x4  }
0xf2: {  	vm0 =	vgt.f32 v5, v4  }
0xf3: {  	v4 =	vmpcnt.ones.xlane vm0;
	_ =	sdelay $0x1  }
0xf4: {  	(v2sf) =	vpush v4, $0x0;
	_ =	sdelay $0x4  }
0xf5: {  	v4 =	vmov s22;
	_ =	sdelay $0x4  }
0xf6: {  	v4 =	vld.idx.msk [tilespmem:v4+s18+$0x0], $0xffff;
	_ =	sdelay $0x4  }
0xf7: {  	v4 =	vshll.u32 v4, $0x7;
	s24 =	spop (v2sf)  }
0xf8: {  	s25 =	simm.s32 $0x0;
	v4 =	vor.u32 v0, v4;
	p1 =	slt.s32 s24, $0x1  }
0xf9: {  	v6 =	vadd.s32 @!p1 s25, v4  }
0xfa: {  	(xrf1) =	vsort.ascd.msk.f32 @!p1 $0xffff, v5, v6;
	_ =	sdelay $0xd  }
0xfb: {  	v5, v6, _ =	vpop @!p1 (xrf1)  }
0xfc: {  	vm0 =	vge.f32 @!p1 v3, v5  }
0xfd: {  	v5 =	vsel @!p1 vm0, v3, v5;
	v6 =	vsel @!p1 vm0, v2, v6  }
0xfe: {  	(xrf1) =	vsort.dscd.msk.f32 @!p1 $0xffff, v5, v6;
	_ =	sdelay $0xb  }
0xff: {  	s24 =	simm.s32 $0x10;
	s25 =	sadd.s32 $0x10, s23  }
.LBB2_22:
0x100: {  	v5 =	vld [tilespmem:s25+$0x0];
	s26 =	smov.u32 s24;
	s24 =	sadd.s32 $0x10, s24  }
0x101: {  	p0 =	sne.s32 s24, $0x80;
	v6, v7, _ =	vpop @!p1 (xrf1)  }
0x102: {  	v3 =	vpsel p1, v3, v6;
	v2 =	vpsel p1, v2, v7  }
0x103: {  	v6 =	vbroadcast v3, $0x9;
	_ =	sdelay $0x1  }
0x104: {  	vm0 =	vgt.f32 v5, v6  }
0x105: {  	v6 =	vmpcnt.ones.xlane vm0;
	_ =	sdelay $0x1  }
0x106: {  	(v2sf) =	vpush v6, $0x0;
	_ =	sdelay $0xe  }
0x107: {  	s28 =	spop (v2sf)  }
0x108: {  	p1 =	slt.s32 s28, $0x1  }
0x109: {  	v6 =	vadd.s32 @!p1 s26, v4  }
0x10a: {  	(xrf1) =	vsort.ascd.msk.f32 @!p1 $0xffff, v5, v6;
	_ =	sdelay $0xd  }
0x10b: {  	v5, v6, _ =	vpop @!p1 (xrf1)  }
0x10c: {  	vm0 =	vge.f32 @!p1 v3, v5  }
0x10d: {  	v5 =	vsel @!p1 vm0, v3, v5;
	v6 =	vsel @!p1 vm0, v2, v6  }
0x10e: {  	(xrf1) =	vsort.dscd.msk.f32 @!p1 $0xffff, v5, v6;
	_ =	sdelay $0x7  }
.Ltmp14:
0x10f: {  	(pc) =	sbr.rel @p0 .LBB2_22-.Ltmp14, $2  }
0x110: {  	_ =	sdelay $0x2  }
0x111: {  	s25 =	sadd.s32 $0x10, s25  }
.Ltmp15:
0x112: {  	(pc) =	sbr.rel .LBB2_20-.Ltmp15, $3  }
0x113: {  	_ =	sdelay $0x1  }
0x114: {  	v4, v5, _ =	vpop @!p1 (xrf1)  }
0x115: {  	s22 =	sadd.s32 $0x1, s22;
	s23 =	sadd.s32 $0x80, s23;
	v3 =	vpsel p1, v3, v4;
	v2 =	vpsel p1, v2, v5  }
.LBB2_25:
0x116: {  	_ =	sfence.sel $0x180000  }
0x117: {  	[bflag:$0x0] =	sbarrier.arrive $0xFFFF  }
0x118: {  	p0 =	sne.s32 s0, $0x0;
	_ =	strace $0x90000047  }
0x119: {  	s0 =	sadd.s32 @!p0 $0x100000, s1;
	[bflag:$0x2] =	sbarrier.arrive $0xFFFF  }
0x11a: {  	[sflag:s0] =	ssyncadd.tile.s32 @!p0 $0x1;
	_ =	shalt  }
.Lfunc_end2:
_tile_overlayer_lowered:
.L_overlay_start_2:
0x11b: {  	(tag) =	ssettag $0x2  }
0x11c: {  	s0 =	rddreg [dreg:$0x0];
	s2 =	stileid.u32  }
0x11d: {  	s1 =	rddreg [dreg:$0x1];
	p0 =	sne.s32 s2, $0x0  }
0x11e: {  	s3 =	rddreg [dreg:$0x2];
	[bflag:$0x3] =	sbarrier.arrive $0xFFFF;
	s2 =	simm.s32 @!p0 $0x1C03  }
0x11f: {  	[timem:s3], [sflag:s2] =	dma.local @!p0 [hbm:s0], s1  }
0x120: {  	s0 =	simm.s32 @!p0 $0x3  }
0x121: {  	_ =	swait.ge @!p0 [sflag:s0], s1  }
0x122: {  	s1 =	ssub.s32 @!p0 $0x0, s1;
	[sflag:s0] =	ssyncset.done @!p0 $0x0  }
0x123: {  	[sflag:s0] =	ssyncadd.s32 @!p0 s1  }
0x124: {  	[bflag:$0x3] =	sbarrier.arrive $0xFFFF  }
0x125: {  	_ =	shalt  }

// kernel: kernel.9.cloned.1.call-start
scs
__scs_entry_jumppad:
0x0: {  	(pc) =	sbr.rel $0x88, $3  }
0x1: {  	(tag) =	ssettag $0x0;
	lr =	simm.s32 $0x1  }
0x2: {  	[smem:$0x3F9F] =	sst lr;
	_ =	strace $0xD0000000  }
0x3: {  	_ = 	snop  }
0x4: {  	_ = 	snop  }
0x5: {  	_ = 	snop  }
0x6: {  	_ = 	snop  }
0x7: {  	_ = 	snop  }
__scs_overlays_trampoline_lowered:
0x8: {  	[smem:$0x3FAE] =	sst s0  }
0x9: {  	[smem:$0x3FAF] =	sst s1  }
0xa: {  	[smem:$0x3FB0] =	sst s2  }
0xb: {  	[smem:$0x3FB1] =	sst s3  }
0xc: {  	[smem:$0x3FB2] =	sst s4  }
0xd: {  	[smem:$0x3FB3] =	sst s5  }
0xe: {  	[smem:$0x3FB4] =	sst s6  }
0xf: {  	[smem:$0x3FB5] =	sst s7  }
0x10: {  	[smem:$0x3FB6] =	sst s8  }
0x11: {  	[smem:$0x3FB7] =	sst s9;
	s0 =	simm.s32 @!p0 $0x0  }
0x12: {  	s1 =	sld [smem:$0x3F9D];
	s0 =	simm.s32 @p0 $0x1  }
0x13: {  	[smem:$0x3FB8] =	sst s0;
	s0 =	simm.s32 @!p1 $0x0  }
0x14: {  	s2 =	sld [smem:$0x3F9C];
	s0 =	simm.s32 @p1 $0x1  }
0x15: {  	[smem:$0x3FB9] =	sst s0;
	s0 =	simm.s32 @!p2 $0x0  }
0x16: {  	s3 =	sld [smem:$0x3FDB];
	s0 =	simm.s32 @p2 $0x1  }
0x17: {  	s4 =	simm.s32 $0x1BF5;
	[smem:$0x3FBB] =	sst s0  }
0x18: {  	s0 =	sld [smem:$0x3F9E];
	_ =	swait.ge [sflag:s4], $0x0  }
0x19: {  	s7 =	sld [smem:$0x3F9F]  }
0x1a: {  	s8 =	sadd.s32 $0xFFFFE003, lr  }
0x1b: {  	s9 =	sadd.s32 $0xFFFFFEF7, lr;
	s5 =	simm.s32 $0xFFFFFFFF;
	p2 =	slt.u32 s8, $0xFFFFF086  }
0x1c: {  	p1 =	slt.u32 s9, $0xF7A;
	s5 =	simm.s32 @!p2 $0x0  }
0x1d: {  	s5 =	simm.s32 @p1 $0x1;
	p0 =	seq.s32 s7, s2  }
0x1e: {  	s7 =	smul.u32 @!p0 $0xF7A, s2;
	p2 =	seq.s32 @!p0 s5, $0x0  }
0x1f: {  	s9 =	smul.u32 $0xF7A, s1;
	s8 =	simm.s32 @!p0 $0x1BF5;
	p2 =	por !p2, p0  }
0x20: {  	[sflag:s8] =	ssyncset.s32 @!p0 $0xFFFFF086;
	s6 =	sadd.s32 @!p0 s3, s7;
	s7 =	simm.s32 @!p0 $0x108  }
0x21: {  	s3 =	sadd.s32 s3, s9;
	s6 =	sadd.s32 @!p0 $0x88, s6;
	s7 =	simm.s32 @p2 $0x1082  }
0x22: {  	[simem:s7], [sflag:s8] =	dma.local @!p0 [hbm:s6], $0xF7A  }
0x23: {  	s9 =	sor.u32 $0xD0000000, s2;
	s6 =	simm.s32 $0x108;
	_ =	swait.ge @!p0 [sflag:s8], $0x0  }
0x24: {  	s3 =	sadd.s32 $0x88, s3;
	s6 =	simm.s32 @!p1 $0x1082;
	[sflag:s4] =	ssyncset.s32 $0xFFFFF086  }
0x25: {  	[simem:s6], [sflag:s4] =	dma.local [hbm:s3], $0xF7A  }
0x26: {  	[smem:$0x3F9F] =	sst s1;
	(tag) =	ssettag s2;
	_ =	strace s9  }
0x27: {  	s1 =	sld [smem:$0x3FAF]  }
0x28: {  	s2 =	sld [smem:$0x3FB0]  }
0x29: {  	s4 =	sld [smem:$0x3FB2]  }
0x2a: {  	p0 =	seq.s32 s5, $0x0;
	s5 =	sld [smem:$0x3FB3]  }
0x2b: {  	s6 =	sld [smem:$0x3FB4]  }
0x2c: {  	s7 =	sld [smem:$0x3FB5]  }
0x2d: {  	s3 =	simm.s32 $0x108;
	s8 =	sld [smem:$0x3FB6]  }
0x2e: {  	s3 =	simm.s32 @!p0 $0x1082;
	s9 =	sld [smem:$0x3FB7]  }
0x2f: {  	lr =	sadd.s32 s0, s3;
	s0 =	sld [smem:$0x3FAE]  }
0x30: {  	s3 =	sld [smem:$0x3FB1]  }
0x31: {  	[smem:$0x3FBA] =	sst s10  }
0x32: {  	s10 =	sld [smem:$0x3FB8];
	_ =	sdelay $0x3  }
0x33: {  	p0 =	seq.s32 s10, $0x1;
	s10 =	sld [smem:$0x3FBA];
	_ =	sdelay $0x3  }
0x34: {  	[smem:$0x3FBA] =	sst s10  }
0x35: {  	s10 =	sld [smem:$0x3FB9];
	_ =	sdelay $0x3  }
0x36: {  	p1 =	seq.s32 s10, $0x1;
	s10 =	sld [smem:$0x3FBA];
	_ =	sdelay $0x3  }
0x37: {  	[smem:$0x3FBA] =	sst s10  }
0x38: {  	s10 =	sld [smem:$0x3FBB]  }
0x39: {  	_ = 	snop;
	(pc) =	sbr.ind lr, $3  }
0x3a: {  	_ = 	snop  }
0x3b: {  	_ = 	snop  }
0x3c: {  	p2 =	seq.s32 s10, $0x1;
	s10 =	sld [smem:$0x3FBA]  }
0x3d: {  	_ =	shalt  }
0x3e: {  	_ =	shalt  }
0x3f: {  	_ =	shalt  }
0x40: {  	_ =	shalt  }
0x41: {  	_ =	shalt  }
0x42: {  	_ =	shalt  }
0x43: {  	_ =	shalt  }
0x44: {  	_ =	shalt  }
0x45: {  	_ =	shalt  }
0x46: {  	_ =	shalt  }
0x47: {  	_ =	shalt  }
0x48: {  	_ =	shalt  }
0x49: {  	_ =	shalt  }
0x4a: {  	_ =	shalt  }
0x4b: {  	_ =	shalt  }
0x4c: {  	_ =	shalt  }
0x4d: {  	_ =	shalt  }
0x4e: {  	_ =	shalt  }
0x4f: {  	_ =	shalt  }
0x50: {  	_ =	shalt  }
0x51: {  	_ =	shalt  }
0x52: {  	_ =	shalt  }
0x53: {  	_ =	shalt  }
0x54: {  	_ =	shalt  }
0x55: {  	_ =	shalt  }
0x56: {  	_ =	shalt  }
0x57: {  	_ =	shalt  }
0x58: {  	_ =	shalt  }
0x59: {  	_ =	shalt  }
0x5a: {  	_ =	shalt  }
0x5b: {  	_ =	shalt  }
0x5c: {  	_ =	shalt  }
0x5d: {  	_ =	shalt  }
0x5e: {  	_ =	shalt  }
0x5f: {  	_ =	shalt  }
0x60: {  	_ =	shalt  }
0x61: {  	_ =	shalt  }
0x62: {  	_ =	shalt  }
0x63: {  	_ =	shalt  }
0x64: {  	_ =	shalt  }
0x65: {  	_ =	shalt  }
0x66: {  	_ =	shalt  }
0x67: {  	_ =	shalt  }
0x68: {  	_ =	shalt  }
0x69: {  	_ =	shalt  }
0x6a: {  	_ =	shalt  }
0x6b: {  	_ =	shalt  }
0x6c: {  	_ =	shalt  }
0x6d: {  	_ =	shalt  }
0x6e: {  	_ =	shalt  }
0x6f: {  	_ =	shalt  }
0x70: {  	_ =	shalt  }
0x71: {  	_ =	shalt  }
0x72: {  	_ =	shalt  }
0x73: {  	_ =	shalt  }
0x74: {  	_ =	shalt  }
0x75: {  	_ =	shalt  }
0x76: {  	_ =	shalt  }
0x77: {  	_ =	shalt  }
0x78: {  	_ =	shalt  }
0x79: {  	_ =	shalt  }
0x7a: {  	_ =	shalt  }
0x7b: {  	_ =	shalt  }
0x7c: {  	_ =	shalt  }
0x7d: {  	_ =	shalt  }
0x7e: {  	_ =	shalt  }
0x7f: {  	_ =	shalt  }
0x80: {  	_ =	shalt  }
0x81: {  	_ =	shalt  }
0x82: {  	_ =	shalt  }
0x83: {  	_ =	shalt  }
0x84: {  	_ =	shalt  }
0x85: {  	_ =	shalt  }
0x86: {  	_ =	shalt  }
0x87: {  	_ =	shalt  }
.Lfunc_end0:
.L_simem_size_0:
called_computation.1_lowered:
.L_overlay_start_0:
0x88: {  	s2 =	sld [smem:$0x3FD9]  }
0x89: {  	s3 =	sld [smem:$0x3FFE];
	_ =	sdelay $0x1  }
0x8a: {  	s1 =	srdreg.scid  }
0x8b: {  	s0 =	sand.u32 $0x1, s1  }
0x8c: {  	s14 =	sshll.u32 s0, $0xA;
	s2 =	sadd.s32 s3, s2  }
0x8d: {  	s2 =	sadd.s32 s2, s14  }
0x8e: {  	[smem:$0x3FC6] =	sst s2  }
0x8f: {  	_ = 	snop  }
0x90: {  	s2 =	sld [smem:$0x3FD0];
	_ =	sdelay $0x2  }
0x91: {  	s15 =	simm.s32 $0xA;
	s4 =	simm.s32 $0x10  }
0x92: {  	[smem:s4], [sflag:s15] =	dma.local [hbm:s2], $0x1  }
0x93: {  	_ =	swait.eq [sflag:s15], $0x1  }
0x94: {  	[sflag:s15] =	ssyncset.done $0x0  }
0x95: {  	[sflag:s15] =	ssyncadd.s32 $0xFFFFFFFF  }
0x96: {  	s16 =	sld [smem:$0x11];
	(tm) =	ssettm $0x1  }
0x97: {  	s17 =	sld [smem:$0x3FFB];
	_ =	sdelay $0x3  }
0x98: {  	_ =	strace s17  }
0x99: {  	s3 =	sld [smem:$0x3FFC];
	_ =	sdelay $0x3  }
0x9a: {  	_ =	strace s3  }
0x9b: {  	s3 =	sld [smem:$0x3FFD];
	_ =	sdelay $0x3  }
0x9c: {  	_ =	strace s3  }
0x9d: {  	_ =	strace $0x8FFFFFFF  }
0x9e: {  	s18 =	sld [smem:$0x3FDB];
	_ =	sdelay $0x1  }
0x9f: {  	s19 =	simm.s32 $_scs_section_size  }
0xa0: {  	s5 =	simm.s32 $_size__tile_overlayer_lowered;
	s6 =	simm.s32 $_tile_overlayer_lowered  }
0xa1: {  	s22 =	simm.s32 $0x1BFF;
	s21 =	sshll.u32 s6, $0x1;
	s3 =	sadd.s32 s19, s18  }
0xa2: {  	s7 =	simm.s32 $0x0;
	s20 =	sshll.u32 s5, $0x1;
	s5 =	sadd.s32 s21, s3  }
0xa3: {  	[timem:s7], [sflag:s22] =	dma.local [hbm:s5], s20  }
0xa4: {  	_ =	swait.ge [sflag:s22], s20  }
0xa5: {  	s4 =	ssub.s32 $0x0, s20;
	[sflag:s22] =	ssyncset.done $0x0  }
0xa6: {  	[sflag:s22] =	ssyncadd.s32 s4;
	_ =	sdelay $0x1  }
0xa7: {  	s23 =	simm.s32 $0x1B8B  }
0xa8: {  	_ =	swait.ge [sflag:s23], $0x1  }
0xa9: {  	[sflag:s23] =	ssyncset.done $0x0  }
0xaa: {  	s25 =	simm.s32 $0x1B8E;
	s24 =	sld [smem:$0x3FFE];
	[sflag:s23] =	ssyncadd.s32 $0xFFFFFFFF  }
0xab: {  	s26 =	simm.s32 $execute0_lowered;
	[smem:$0x3FD2] =	sst s25  }
0xac: {  	s5 =	sshll.u32 s26, $0x1;
	_ =	strace $0x80000049;
	[dreg:$0x1] =	wrdreg $0xFFFFFFFF  }
0xad: {  	s28 =	simm.s32 $_size_execute0_lowered;
	s3 =	sadd.s32 s3, s5;
	[dreg:$0x0] =	wrdreg $0x0  }
0xae: {  	s5 =	sshll.u32 s28, $0x1;
	[dreg:$0x2] =	wrdreg s3  }
0xaf: {  	[dreg:$0x3] =	wrdreg s5  }
0xb0: {  	[dreg:$0x4] =	wrdreg $0xC0  }
0xb1: {  	_ =	task [dreg:s7], $0x5FFFF  }
0xb2: {  	[dreg:$0x1] =	wrdreg $0xFFFFFFFF  }
0xb3: {  	[dreg:$0x0] =	wrdreg $0x60  }
0xb4: {  	[dreg:$0x2] =	wrdreg s24  }
0xb5: {  	[dreg:$0x3] =	wrdreg s16  }
0xb6: {  	[dreg:$0x4] =	wrdreg $0x9  }
0xb7: {  	_ =	task.clear_ibuf [dreg:s7], $0x5FFFF;
	_ =	strace $0x90000049  }
0xb8: {  	s29 =	simm.s32 $0x9;
	_ =	strace $0x8000004B  }
0xb9: {  	_ =	swait.ge [sflag:s29], $0x1  }
0xba: {  	[sflag:s29] =	ssyncadd.s32 $0xFFFFFFFF  }
0xbb: {  	_ =	strace $0x9000004B  }
0xbc: {  	_ =	sfence  }
0xbd: {  	s30 =	sld [smem:$0x0];
	_ =	sdelay $0x2  }
0xbe: {  	s31 =	sshll.u32 s1, $0xD;
	s1 =	sshrl.u32 s1, $0x2  }
0xbf: {  	s3 =	sand.u32 $0x4000, s31;
	s1 =	sadd.s32 s1, s30  }
0xc0: {  	s0 =	sor.u32 s3, s0;
	s1 =	sshll.u32 s1, $0x11  }
0xc1: {  	s0 =	sor.u32 s1, s0  }
0xc2: {  	s0 =	sadd.s32 $0x8F2B, s0  }
0xc3: {  	[sflag:s0] =	ssyncadd.remote.s32 $0x1  }
0xc4: {  	_ =	sfence.sel $0xFFFF  }
0xc5: {  	[dreg:$0x0] =	wrdreg $0xFFFFFFFF;
	(pc) =	sbr.abs _section_cstart, $3  }
0xc6: {  	[dreg:$0x1] =	wrdreg $0xFFFFFFFF  }
0xc7: {  	_ =	task.clear_ibuf [dreg:s7], $0x2FFFF;
	_ =	strace $0x9FFFFFFF  }
0xc8: {  	(tm) =	ssettm $0x7FFFFFFF  }
0xc9: {  	_ =	shalt  }
tec
execute0_lowered:
.L_overlay_start_1:
0x0: {  	(tag) =	ssettag $0x1  }
0x1: {  	s0 =	srdreg.scid;
	s1 =	rddreg [dreg:$0x0]  }
0x2: {  	s2 =	stileid.u32;
	s8 =	rddreg [dreg:$0x1]  }
0x3: {  	s11 =	simm.s32 $0x3;
	s14 =	simm.s32 $0x10;
	s15 =	simm.s32 $0x3280  }
0x4: {  	s16 =	simm.s32 $0x3300;
	s17 =	simm.s32 $0x3B80;
	s18 =	simm.s32 $0x3C00  }
0x5: {  	s19 =	simm.s32 $0x1;
	s20 =	simm.s32 $0x3200;
	s21 =	simm.s32 $0x2  }
0x6: {  	s22 =	simm.s32 $0x3B00;
	s0 =	sand.u32 $0x1, s0;
	s2 =	sshll.u32 s2, $0x1  }
0x7: {  	s25 =	simm.s32 $0x0;
	s4 =	sor.u32 s0, s2;
	s2 =	simm.s32 $0x0  }
0x8: {  	s0 =	ssub.s32 $0x2, s0;
	s3 =	smul.u32 $0x640, s4;
	[smem:$0x7FF] =	sst s2  }
.Ltmp0:
0x9: {  	s9 =	sshll.u32 s4, $0x6;
	s6 =	sshrl.u32 s0, $0x1;
	(pc) =	sbr.rel .LBB2_1-.Ltmp0, $4  }
0xa: {  	s4 =	sshll.u32 s4, $0x5;
	_ =	strace $0x8000004A;
	s0 =	ssub.s32 s0, s6  }
0xb: {  	s8 =	sadd.s32 s8, s9;
	s5 =	sadd.s32 s3, s1;
	s3 =	sadd.s32 $0x1251A00, s1  }
0xc: {  	s1 =	sadd.s32 s9, s1;
	s10 =	smax.u32 s0, $0x1;
	s5 =	sadd.s32 $0x6A00, s5  }
0xd: {  	v0 =	vlaneseq.u32;
	s6 =	sadd.s32 $0x5A00, s1;
	s7 =	sadd.s32 $0x6200, s1;
	s9 =	sadd.s32 $0x1A00, s1  }
.LBB2_24:
0xe: {  	[tilespmem:$0x45F0] =	vst v2  }
0xf: {  	[tilespmem:$0x47F0] =	vst v3;
	s0 =	simm.s32 $0x4400  }
0x10: {  	[hbm4b:s8+s2] =	stream.linear.scatter [tilespmem:s0], [sflag:$0x3], $0x200, $0x38;
	[tilespmem:$0x4C00] =	vst v63  }
0x11: {  	s25 =	sadd.s32 $0x1, s25;
	_ =	swait.ge [sflag:s11], $0x200  }
0x12: {  	p0 =	sne.s32 s25, s10;
	[sflag:s11] =	ssyncset.done $0x0  }
.Ltmp1:
0x13: {  	s31 =	simm.s32 $0x4600;
	[sflag:s11] =	ssyncadd.s32 $0xFFFFFE00;
	(pc) =	sbr.rel @!p0 .LBB2_25-.Ltmp1, $4  }
0x14: {  	[hbm4b:s9+s2] =	stream.linear.scatter [tilespmem:s31], [sflag:$0x3], $0x200, $0x38;
	[tilespmem:$0x4C00] =	vst v63  }
0x15: {  	_ =	swait.ge [sflag:s11], $0x200  }
0x16: {  	[sflag:s11] =	ssyncset.done $0x0  }
0x17: {  	[sflag:s11] =	ssyncadd.s32 $0xFFFFFE00  }
.LBB2_1:
0x18: {  	[tilespmem:s2], [sflag:$0x3] =	stream.linear.gather [hbm4b:s5+s2], $0x3200, $0x38;
	[tilespmem:$0x4C00] =	vst v63  }
0x19: {  	_ =	swait.ge [sflag:s11], $0x3200  }
0x1a: {  	[sflag:s11] =	ssyncset.done $0x0  }
0x1b: {  	s0 =	simm.s32 $0x4800;
	[sflag:s11] =	ssyncadd.s32 $0xFFFFCE00  }
0x1c: {  	[tilespmem:s0], [sflag:$0x3] =	stream.linear.gather [hbm4b:s6+s2], $0x200, $0x38;
	[tilespmem:$0x4C00] =	vst v63  }
0x1d: {  	_ =	swait.ge [sflag:s11], $0x200  }
0x1e: {  	[sflag:s11] =	ssyncset.done $0x0  }
.Ltmp2:
0x1f: {  	s31 =	simm.s32 $0x4A00;
	[sflag:s11] =	ssyncadd.s32 $0xFFFFFE00;
	(pc) =	sbr.rel .LBB2_2-.Ltmp2, $4  }
0x20: {  	[tilespmem:s31], [sflag:$0x3] =	stream.linear.gather [hbm4b:s7+s2], $0x200, $0x38;
	[tilespmem:$0x4C00] =	vst v63  }
0x21: {  	_ =	swait.ge [sflag:s11], $0x200  }
0x22: {  	s26 =	simm.s32 $0x190;
	[sflag:s11] =	ssyncset.done $0x0  }
0x23: {  	v1 =	vimm.f32 $-Inf;
	s28 =	simm.s32 $0x0;
	s29 =	simm.s32 $0x0;
	[sflag:s11] =	ssyncadd.s32 $0xFFFFFE00  }
.LBB2_18:
0x24: {  	s29 =	sadd.s32 $0x1, s29  }
0x25: {  	p0 =	sne.s32 s29, $0x10  }
.Ltmp3:
0x26: {  	_ = 	snop;
	(pc) =	sbr.rel @!p0 .LBB2_19-.Ltmp3, $3  }
0x27: {  	_ =	sdelay $0x1  }
0x28: {  	[tilespmem:s30+$0x4400] =	vst v3  }
0x29: {  	[tilespmem:s30+$0x4600] =	vst v4;
	s28 =	sadd.s32 $0x320, s28;
	s26 =	sadd.s32 $0x320, s26  }
.LBB2_2:
0x2a: {  	s30 =	sshll.u32 s29, $0x5  }
0x2b: {  	v2 =	vld [tilespmem:s30+$0x4800];
	_ =	sdelay $0x3  }
0x2c: {  	v3 =	vld [tilespmem:s28+$0x0]  }
0x2d: {  	v2 =	vbroadcast v2, $0x9;
	_ =	sdelay $0x1  }
0x2e: {  	v4 =	vbroadcast v2, $0x9;
	_ =	sdelay $0x1  }
0x2f: {  	vm0 =	vgt.f32 v3, v4  }
0x30: {  	v4 =	vmpcnt.ones.xlane vm0;
	_ =	sdelay $0x1  }
0x31: {  	(v2sf) =	vpush v4, $0x0;
	_ =	sdelay $0xe  }
0x32: {  	s0 =	spop (v2sf)  }
0x33: {  	p0 =	slt.s32 s0, $0x1  }
0x34: {  	s0 =	simm.s32 $0x0;
	v4 =	vlaneseq.u32 @!p0  }
0x35: {  	v4 =	vor.u32 @!p0 s0, v4  }
0x36: {  	(xrf1) =	vsort.ascd.msk.f32 @!p0 $0xffff, v3, v4;
	_ =	sdelay $0xd  }
0x37: {  	v4, v5, _ =	vpop @!p0 (xrf1)  }
0x38: {  	v3 =	vimm.s32 $0x0;
	vm0 =	vge.f32 @!p0 v2, v4  }
0x39: {  	v4 =	vsel @!p0 vm0, v2, v4;
	v5 =	vsel @!p0 vm0, v3, v5  }
0x3a: {  	(xrf1) =	vsort.dscd.msk.f32 @!p0 $0xffff, v4, v5;
	_ =	sdelay $0xb  }
0x3b: {  	s1 =	sadd.s32 $0x10, s28;
	s0 =	simm.s32 $0x10  }
.LBB2_3:
0x3c: {  	v4 =	vld [tilespmem:s1+$0x0];
	s12 =	smov.u32 s0;
	s0 =	sadd.s32 $0x10, s0  }
0x3d: {  	p1 =	sne.s32 s0, $0x190;
	v5, v6, _ =	vpop @!p0 (xrf1)  }
0x3e: {  	v2 =	vpsel p0, v2, v5;
	v3 =	vpsel p0, v3, v6  }
0x3f: {  	v5 =	vbroadcast v2, $0x9;
	_ =	sdelay $0x1  }
0x40: {  	vm0 =	vgt.f32 v4, v5  }
0x41: {  	v5 =	vmpcnt.ones.xlane vm0;
	_ =	sdelay $0x1  }
0x42: {  	(v2sf) =	vpush v5, $0x0;
	_ =	sdelay $0xe  }
0x43: {  	s13 =	spop (v2sf)  }
0x44: {  	p0 =	slt.s32 s13, $0x1  }
0x45: {  	v5 =	vlaneseq.u32 @!p0  }
0x46: {  	v5 =	vor.u32 @!p0 s12, v5  }
0x47: {  	(xrf1) =	vsort.ascd.msk.f32 @!p0 $0xffff, v4, v5;
	_ =	sdelay $0xd  }
0x48: {  	v4, v5, _ =	vpop @!p0 (xrf1)  }
0x49: {  	vm0 =	vge.f32 @!p0 v2, v4  }
0x4a: {  	v4 =	vsel @!p0 vm0, v2, v4;
	v5 =	vsel @!p0 vm0, v3, v5  }
0x4b: {  	(xrf1) =	vsort.dscd.msk.f32 @!p0 $0xffff, v4, v5;
	_ =	sdelay $0x7  }
.Ltmp4:
0x4c: {  	(pc) =	sbr.rel @p1 .LBB2_3-.Ltmp4, $2  }
0x4d: {  	_ =	sdelay $0x2  }
0x4e: {  	s1 =	sadd.s32 $0x10, s1  }
0x4f: {  	s0 =	sshll.u32 s29, $0x1  }
0x50: {  	s0 =	sadd.s32 s4, s0  }
0x51: {  	p1 =	seq.s32 s29, $0x0;
	s0 =	smul.u32 $0x190, s0  }
.Ltmp5:
0x52: {  	v4, v5, _ =	vpop @!p0 (xrf1);
	(pc) =	sbr.rel @p1 .LBB2_11-.Ltmp5, $4  }
0x53: {  	v3 =	vpsel p0, v3, v5  }
0x54: {  	[tilespmem:$0x3200] =	vst v3;
	v3 =	vadd.s32 s0, v3  }
0x55: {  	[tilespmem:$0x3280] =	vst v3  }
0x56: {  	v2 =	vpsel p0, v2, v4;
	[tilespmem:s16], [sflag:$0x1] =	stream.indirect.gather [hbm4b:s3+s14], $0x80, s15, s14, $0xb8;
	[tilespmem:$0x4C00] =	vst v63  }
0x57: {  	_ =	swait.ge [sflag:s21], $0x800  }
0x58: {  	[sflag:s21] =	ssyncset.done $0x0  }
0x59: {  	[sflag:s21] =	ssyncadd.s32 $0xFFFFF800  }
0x5a: {  	v3 =	vld [tilespmem:s30+$0x47F0]  }
0x5b: {  	v4 =	vld [tilespmem:s30+$0x49F0];
	_ =	sdelay $0x1  }
0x5c: {  	s31 =	sadd.s32 $0xFFFFFFF0, s30;
	s1 =	simm.s32 $0x0;
	s0 =	simm.s32 $0x3C00  }
.LBB2_6:
0x5d: {  	_ = 	snop  }
0x5e: {  	v5 =	vbroadcast v3, $0x9;
	_ =	sdelay $0x1  }
0x5f: {  	vm0 =	vgt.f32 v1, v5  }
0x60: {  	v6 =	vmpcnt.ones.xlane vm0;
	_ =	sdelay $0x1  }
0x61: {  	(v2sf) =	vpush v6, $0x0;
	_ =	sdelay $0xe  }
0x62: {  	p0 =	sgt.u32 s1, $0xF;
	s12 =	spop (v2sf)  }
0x63: {  	p1 =	sle.s32 @!p0 s12, s1  }
0x64: {  	p0 =	por p0, p1  }
.Ltmp6:
0x65: {  	_ = 	snop;
	(pc) =	sbr.rel @p0 .LBB2_10-.Ltmp6, $1  }
0x66: {  	_ =	sdelay $0x3  }
0x67: {  	v6 =	vld [tilespmem:s0+$0x0];
	_ =	sdelay $0x4  }
0x68: {  	vm0 =	vgt.f32 v6, v5  }
0x69: {  	v5 =	vmpcnt.ones.xlane vm0;
	_ =	sdelay $0x1  }
0x6a: {  	(v2sf) =	vpush v5, $0x0;
	_ =	sdelay $0x8  }
0x6b: {  	v5 =	vmov s1;
	_ =	sdelay $0x4  }
0x6c: {  	v5 =	vld.idx.msk [tilespmem:v5+s22+$0x0], $0xffff  }
0x6d: {  	s12 =	spop (v2sf)  }
0x6e: {  	s13 =	simm.s32 $0x0;
	p1 =	slt.s32 s12, $0x1  }
0x6f: {  	v7 =	vmov @!p1 s13  }
0x70: {  	v7 =	vadd.s32 @!p1 $0xC000, v7  }
0x71: {  	v5 =	vshll.u32 v5, $0x7;
	v7 =	vbroadcast @!p1 v7, $0x0  }
0x72: {  	v5 =	vor.u32 v0, v5  }
0x73: {  	v7 =	vadd.s32 @!p1 v5, v7  }
0x74: {  	(xrf1) =	vsort.ascd.msk.f32 @!p1 $0xffff, v6, v7;
	_ =	sdelay $0xd  }
0x75: {  	v6, v7, _ =	vpop @!p1 (xrf1)  }
0x76: {  	vm0 =	vge.f32 @!p1 v3, v6  }
0x77: {  	v6 =	vsel @!p1 vm0, v3, v6;
	v7 =	vsel @!p1 vm0, v4, v7  }
0x78: {  	(xrf1) =	vsort.dscd.msk.f32 @!p1 $0xffff, v6, v7;
	_ =	sdelay $0xb  }
0x79: {  	s12 =	simm.s32 $0x10;
	s13 =	sadd.s32 $0x10, s0  }
.LBB2_8:
0x7a: {  	v6 =	vld [tilespmem:s13+$0x0];
	s23 =	smov.u32 s12;
	s12 =	sadd.s32 $0x10, s12  }
0x7b: {  	p0 =	sne.s32 s12, $0x80;
	v7, v8, _ =	vpop @!p1 (xrf1)  }
0x7c: {  	v3 =	vpsel p1, v3, v7;
	v4 =	vpsel p1, v4, v8  }
0x7d: {  	v7 =	vbroadcast v3, $0x9;
	_ =	sdelay $0x1  }
0x7e: {  	vm0 =	vgt.f32 v6, v7  }
0x7f: {  	v7 =	vmpcnt.ones.xlane vm0;
	_ =	sdelay $0x1  }
0x80: {  	(v2sf) =	vpush v7, $0x0;
	_ =	sdelay $0xe  }
0x81: {  	s24 =	spop (v2sf)  }
0x82: {  	p1 =	slt.s32 s24, $0x1  }
0x83: {  	v7 =	vmov @!p1 s23  }
0x84: {  	v7 =	vadd.s32 @!p1 $0xC000, v7  }
0x85: {  	v7 =	vbroadcast @!p1 v7, $0x0;
	_ =	sdelay $0x1  }
0x86: {  	v7 =	vadd.s32 @!p1 v5, v7  }
0x87: {  	(xrf1) =	vsort.ascd.msk.f32 @!p1 $0xffff, v6, v7;
	_ =	sdelay $0xd  }
0x88: {  	v6, v7, _ =	vpop @!p1 (xrf1)  }
0x89: {  	vm0 =	vge.f32 @!p1 v3, v6  }
0x8a: {  	v6 =	vsel @!p1 vm0, v3, v6;
	v7 =	vsel @!p1 vm0, v4, v7  }
0x8b: {  	(xrf1) =	vsort.dscd.msk.f32 @!p1 $0xffff, v6, v7;
	_ =	sdelay $0x7  }
.Ltmp7:
0x8c: {  	(pc) =	sbr.rel @p0 .LBB2_8-.Ltmp7, $2  }
0x8d: {  	_ =	sdelay $0x2  }
0x8e: {  	s13 =	sadd.s32 $0x10, s13  }
.Ltmp8:
0x8f: {  	(pc) =	sbr.rel .LBB2_6-.Ltmp8, $3  }
0x90: {  	_ =	sdelay $0x1  }
0x91: {  	v5, v6, _ =	vpop @!p1 (xrf1)  }
0x92: {  	s1 =	sadd.s32 $0x1, s1;
	s0 =	sadd.s32 $0x80, s0;
	v3 =	vpsel p1, v3, v5;
	v4 =	vpsel p1, v4, v6  }
.LBB2_10:
0x93: {  	[tilespmem:s31+$0x4400] =	vst v3  }
0x94: {  	[tilespmem:s31+$0x4600] =	vst v4  }
.LBB2_11:
0x95: {  	s0 =	sshllo.u32 s29, $0x1  }
0x96: {  	s1 =	sshll.u32 s0, $0x4  }
0x97: {  	s1 =	sand.u32 $0x3FFFFFF0, s1  }
0x98: {  	v1 =	vld [tilespmem:s1+$0x4800];
	_ =	sdelay $0x3  }
0x99: {  	v3 =	vld [tilespmem:s26+$0x0]  }
0x9a: {  	v1 =	vbroadcast v1, $0x9;
	_ =	sdelay $0x1  }
0x9b: {  	v4 =	vbroadcast v1, $0x9;
	_ =	sdelay $0x1  }
0x9c: {  	vm0 =	vgt.f32 v3, v4  }
0x9d: {  	v4 =	vmpcnt.ones.xlane vm0;
	_ =	sdelay $0x1  }
0x9e: {  	(v2sf) =	vpush v4, $0x0;
	_ =	sdelay $0xe  }
0x9f: {  	s31 =	spop (v2sf)  }
0xa0: {  	p0 =	slt.s32 s31, $0x1  }
0xa1: {  	s1 =	simm.s32 $0x0;
	v4 =	vlaneseq.u32 @!p0  }
0xa2: {  	v4 =	vor.u32 @!p0 s1, v4  }
0xa3: {  	(xrf1) =	vsort.ascd.msk.f32 @!p0 $0xffff, v3, v4;
	_ =	sdelay $0xd  }
0xa4: {  	v4, v5, _ =	vpop @!p0 (xrf1)  }
0xa5: {  	v3 =	vimm.s32 $0x0;
	vm0 =	vge.f32 @!p0 v1, v4  }
0xa6: {  	v4 =	vsel @!p0 vm0, v1, v4;
	v5 =	vsel @!p0 vm0, v3, v5  }
0xa7: {  	(xrf1) =	vsort.dscd.msk.f32 @!p0 $0xffff, v4, v5;
	_ =	sdelay $0xb  }
0xa8: {  	s12 =	sadd.s32 $0x10, s26;
	s1 =	simm.s32 $0x10  }
.LBB2_12:
0xa9: {  	v4 =	vld [tilespmem:s12+$0x0];
	s13 =	smov.u32 s1;
	s1 =	sadd.s32 $0x10, s1  }
0xaa: {  	p1 =	sne.s32 s1, $0x190;
	v5, v6, _ =	vpop @!p0 (xrf1)  }
0xab: {  	v1 =	vpsel p0, v1, v5;
	v3 =	vpsel p0, v3, v6  }
0xac: {  	v5 =	vbroadcast v1, $0x9;
	_ =	sdelay $0x1  }
0xad: {  	vm0 =	vgt.f32 v4, v5  }
0xae: {  	v5 =	vmpcnt.ones.xlane vm0;
	_ =	sdelay $0x1  }
0xaf: {  	(v2sf) =	vpush v5, $0x0;
	_ =	sdelay $0xe  }
0xb0: {  	s23 =	spop (v2sf)  }
0xb1: {  	p0 =	slt.s32 s23, $0x1  }
0xb2: {  	v5 =	vlaneseq.u32 @!p0  }
0xb3: {  	v5 =	vor.u32 @!p0 s13, v5  }
0xb4: {  	(xrf1) =	vsort.ascd.msk.f32 @!p0 $0xffff, v4, v5;
	_ =	sdelay $0xd  }
0xb5: {  	v4, v5, _ =	vpop @!p0 (xrf1)  }
0xb6: {  	vm0 =	vge.f32 @!p0 v1, v4  }
0xb7: {  	v4 =	vsel @!p0 vm0, v1, v4;
	v5 =	vsel @!p0 vm0, v3, v5  }
0xb8: {  	(xrf1) =	vsort.dscd.msk.f32 @!p0 $0xffff, v4, v5;
	_ =	sdelay $0x7  }
.Ltmp9:
0xb9: {  	(pc) =	sbr.rel @p1 .LBB2_12-.Ltmp9, $2  }
0xba: {  	_ =	sdelay $0x2  }
0xbb: {  	s12 =	sadd.s32 $0x10, s12  }
0xbc: {  	s0 =	sadd.s32 s4, s0  }
0xbd: {  	v4, v5, _ =	vpop @!p0 (xrf1);
	s0 =	smul.u32 $0x190, s0  }
0xbe: {  	v3 =	vpsel p0, v3, v5  }
0xbf: {  	[tilespmem:$0x3B00] =	vst v3;
	v3 =	vadd.s32 s0, v3  }
0xc0: {  	[tilespmem:$0x3B80] =	vst v3  }
0xc1: {  	[tilespmem:s18], [sflag:$0x2] =	stream.indirect.gather [hbm4b:s3+s14], $0x80, s17, s14, $0xb8;
	[tilespmem:$0x4C00] =	vst v63  }
0xc2: {  	_ =	swait.ge [sflag:s19], $0x800  }
0xc3: {  	[sflag:s19] =	ssyncset.done $0x0  }
0xc4: {  	[sflag:s19] =	ssyncadd.s32 $0xFFFFF800  }
0xc5: {  	v3 =	vld [tilespmem:s30+$0x4800]  }
0xc6: {  	v1 =	vpsel p0, v1, v4;
	v4 =	vld [tilespmem:s30+$0x4A00];
	_ =	sdelay $0x1  }
0xc7: {  	s1 =	simm.s32 $0x0;
	s0 =	simm.s32 $0x3300  }
.LBB2_14:
0xc8: {  	_ = 	snop  }
0xc9: {  	v5 =	vbroadcast v3, $0x9;
	_ =	sdelay $0x1  }
0xca: {  	vm0 =	vgt.f32 v2, v5  }
0xcb: {  	v6 =	vmpcnt.ones.xlane vm0;
	_ =	sdelay $0x1  }
0xcc: {  	(v2sf) =	vpush v6, $0x0;
	_ =	sdelay $0xe  }
0xcd: {  	p0 =	sgt.u32 s1, $0xF;
	s12 =	spop (v2sf)  }
0xce: {  	p1 =	sle.s32 @!p0 s12, s1  }
0xcf: {  	p0 =	por p0, p1  }
.Ltmp10:
0xd0: {  	_ = 	snop;
	(pc) =	sbr.rel @p0 .LBB2_18-.Ltmp10, $1  }
0xd1: {  	_ =	sdelay $0x3  }
0xd2: {  	v6 =	vld [tilespmem:s0+$0x0];
	_ =	sdelay $0x4  }
0xd3: {  	vm0 =	vgt.f32 v6, v5  }
0xd4: {  	v5 =	vmpcnt.ones.xlane vm0;
	_ =	sdelay $0x1  }
0xd5: {  	(v2sf) =	vpush v5, $0x0;
	_ =	sdelay $0x8  }
0xd6: {  	v5 =	vmov s1;
	_ =	sdelay $0x4  }
0xd7: {  	v5 =	vld.idx.msk [tilespmem:v5+s20+$0x0], $0xffff  }
0xd8: {  	s12 =	spop (v2sf)  }
0xd9: {  	s13 =	simm.s32 $0x0;
	p1 =	slt.s32 s12, $0x1  }
0xda: {  	v7 =	vmov @!p1 s13  }
0xdb: {  	v7 =	vadd.s32 @!p1 $0xC000, v7  }
0xdc: {  	v5 =	vshll.u32 v5, $0x7;
	v7 =	vbroadcast @!p1 v7, $0x0  }
0xdd: {  	v5 =	vor.u32 v0, v5  }
0xde: {  	v7 =	vadd.s32 @!p1 v5, v7  }
0xdf: {  	(xrf1) =	vsort.ascd.msk.f32 @!p1 $0xffff, v6, v7;
	_ =	sdelay $0xd  }
0xe0: {  	v6, v7, _ =	vpop @!p1 (xrf1)  }
0xe1: {  	vm0 =	vge.f32 @!p1 v3, v6  }
0xe2: {  	v6 =	vsel @!p1 vm0, v3, v6;
	v7 =	vsel @!p1 vm0, v4, v7  }
0xe3: {  	(xrf1) =	vsort.dscd.msk.f32 @!p1 $0xffff, v6, v7;
	_ =	sdelay $0xb  }
0xe4: {  	s12 =	simm.s32 $0x10;
	s13 =	sadd.s32 $0x10, s0  }
.LBB2_16:
0xe5: {  	v6 =	vld [tilespmem:s13+$0x0];
	s23 =	smov.u32 s12;
	s12 =	sadd.s32 $0x10, s12  }
0xe6: {  	p0 =	sne.s32 s12, $0x80;
	v7, v8, _ =	vpop @!p1 (xrf1)  }
0xe7: {  	v3 =	vpsel p1, v3, v7;
	v4 =	vpsel p1, v4, v8  }
0xe8: {  	v7 =	vbroadcast v3, $0x9;
	_ =	sdelay $0x1  }
0xe9: {  	vm0 =	vgt.f32 v6, v7  }
0xea: {  	v7 =	vmpcnt.ones.xlane vm0;
	_ =	sdelay $0x1  }
0xeb: {  	(v2sf) =	vpush v7, $0x0;
	_ =	sdelay $0xe  }
0xec: {  	s24 =	spop (v2sf)  }
0xed: {  	p1 =	slt.s32 s24, $0x1  }
0xee: {  	v7 =	vmov @!p1 s23  }
0xef: {  	v7 =	vadd.s32 @!p1 $0xC000, v7  }
0xf0: {  	v7 =	vbroadcast @!p1 v7, $0x0;
	_ =	sdelay $0x1  }
0xf1: {  	v7 =	vadd.s32 @!p1 v5, v7  }
0xf2: {  	(xrf1) =	vsort.ascd.msk.f32 @!p1 $0xffff, v6, v7;
	_ =	sdelay $0xd  }
0xf3: {  	v6, v7, _ =	vpop @!p1 (xrf1)  }
0xf4: {  	vm0 =	vge.f32 @!p1 v3, v6  }
0xf5: {  	v6 =	vsel @!p1 vm0, v3, v6;
	v7 =	vsel @!p1 vm0, v4, v7  }
0xf6: {  	(xrf1) =	vsort.dscd.msk.f32 @!p1 $0xffff, v6, v7;
	_ =	sdelay $0x7  }
.Ltmp11:
0xf7: {  	(pc) =	sbr.rel @p0 .LBB2_16-.Ltmp11, $2  }
0xf8: {  	_ =	sdelay $0x2  }
0xf9: {  	s13 =	sadd.s32 $0x10, s13  }
.Ltmp12:
0xfa: {  	(pc) =	sbr.rel .LBB2_14-.Ltmp12, $3  }
0xfb: {  	_ =	sdelay $0x1  }
0xfc: {  	v5, v6, _ =	vpop @!p1 (xrf1)  }
0xfd: {  	s1 =	sadd.s32 $0x1, s1;
	s0 =	sadd.s32 $0x80, s0;
	v3 =	vpsel p1, v3, v5;
	v4 =	vpsel p1, v4, v6  }
.LBB2_19:
0xfe: {  	_ =	swait.ge [sflag:s21], $0x800  }
0xff: {  	[sflag:s21] =	ssyncset.done $0x0  }
0x100: {  	[sflag:s21] =	ssyncadd.s32 $0xFFFFF800  }
0x101: {  	v2 =	vld [tilespmem:$0x49F0]  }
0x102: {  	v3 =	vld [tilespmem:$0x4BF0];
	_ =	sdelay $0x2  }
0x103: {  	s26 =	simm.s32 $0x0;
	s1 =	simm.s32 $0x3C00  }
.LBB2_20:
0x104: {  	v4 =	vbroadcast v2, $0x9;
	_ =	sdelay $0x1  }
0x105: {  	vm0 =	vgt.f32 v1, v4  }
0x106: {  	v5 =	vmpcnt.ones.xlane vm0;
	_ =	sdelay $0x1  }
0x107: {  	(v2sf) =	vpush v5, $0x0;
	_ =	sdelay $0xe  }
0x108: {  	p0 =	sgt.u32 s26, $0xF;
	s0 =	spop (v2sf)  }
0x109: {  	p1 =	sle.s32 @!p0 s0, s26  }
0x10a: {  	p0 =	por p0, p1  }
.Ltmp13:
0x10b: {  	_ = 	snop;
	(pc) =	sbr.rel @p0 .LBB2_24-.Ltmp13, $1  }
0x10c: {  	_ =	sdelay $0x3  }
0x10d: {  	v5 =	vld [tilespmem:s1+$0x0];
	_ =	sdelay $0x4  }
0x10e: {  	vm0 =	vgt.f32 v5, v4  }
0x10f: {  	v4 =	vmpcnt.ones.xlane vm0;
	_ =	sdelay $0x1  }
0x110: {  	(v2sf) =	vpush v4, $0x0;
	_ =	sdelay $0x8  }
0x111: {  	v4 =	vmov s26;
	_ =	sdelay $0x4  }
0x112: {  	v4 =	vld.idx.msk [tilespmem:v4+s22+$0x0], $0xffff  }
0x113: {  	s0 =	spop (v2sf)  }
0x114: {  	s12 =	simm.s32 $0x0;
	p1 =	slt.s32 s0, $0x1  }
0x115: {  	v6 =	vmov @!p1 s12  }
0x116: {  	v6 =	vadd.s32 @!p1 $0xC000, v6  }
0x117: {  	v4 =	vshll.u32 v4, $0x7;
	v6 =	vbroadcast @!p1 v6, $0x0  }
0x118: {  	v4 =	vor.u32 v0, v4  }
0x119: {  	v6 =	vadd.s32 @!p1 v4, v6  }
0x11a: {  	(xrf1) =	vsort.ascd.msk.f32 @!p1 $0xffff, v5, v6;
	_ =	sdelay $0xd  }
0x11b: {  	v5, v6, _ =	vpop @!p1 (xrf1)  }
0x11c: {  	vm0 =	vge.f32 @!p1 v2, v5  }
0x11d: {  	v5 =	vsel @!p1 vm0, v2, v5;
	v6 =	vsel @!p1 vm0, v3, v6  }
0x11e: {  	(xrf1) =	vsort.dscd.msk.f32 @!p1 $0xffff, v5, v6;
	_ =	sdelay $0xb  }
0x11f: {  	s0 =	simm.s32 $0x10;
	s12 =	sadd.s32 $0x10, s1  }
.LBB2_22:
0x120: {  	v5 =	vld [tilespmem:s12+$0x0];
	s13 =	smov.u32 s0;
	s0 =	sadd.s32 $0x10, s0  }
0x121: {  	p0 =	sne.s32 s0, $0x80;
	v6, v7, _ =	vpop @!p1 (xrf1)  }
0x122: {  	v2 =	vpsel p1, v2, v6;
	v3 =	vpsel p1, v3, v7  }
0x123: {  	v6 =	vbroadcast v2, $0x9;
	_ =	sdelay $0x1  }
0x124: {  	vm0 =	vgt.f32 v5, v6  }
0x125: {  	v6 =	vmpcnt.ones.xlane vm0;
	_ =	sdelay $0x1  }
0x126: {  	(v2sf) =	vpush v6, $0x0;
	_ =	sdelay $0xe  }
0x127: {  	s23 =	spop (v2sf)  }
0x128: {  	p1 =	slt.s32 s23, $0x1  }
0x129: {  	v6 =	vmov @!p1 s13  }
0x12a: {  	v6 =	vadd.s32 @!p1 $0xC000, v6  }
0x12b: {  	v6 =	vbroadcast @!p1 v6, $0x0;
	_ =	sdelay $0x1  }
0x12c: {  	v6 =	vadd.s32 @!p1 v4, v6  }
0x12d: {  	(xrf1) =	vsort.ascd.msk.f32 @!p1 $0xffff, v5, v6;
	_ =	sdelay $0xd  }
0x12e: {  	v5, v6, _ =	vpop @!p1 (xrf1)  }
0x12f: {  	vm0 =	vge.f32 @!p1 v2, v5  }
0x130: {  	v5 =	vsel @!p1 vm0, v2, v5;
	v6 =	vsel @!p1 vm0, v3, v6  }
0x131: {  	(xrf1) =	vsort.dscd.msk.f32 @!p1 $0xffff, v5, v6;
	_ =	sdelay $0x7  }
.Ltmp14:
0x132: {  	(pc) =	sbr.rel @p0 .LBB2_22-.Ltmp14, $2  }
0x133: {  	_ =	sdelay $0x2  }
0x134: {  	s12 =	sadd.s32 $0x10, s12  }
.Ltmp15:
0x135: {  	(pc) =	sbr.rel .LBB2_20-.Ltmp15, $3  }
0x136: {  	_ =	sdelay $0x1  }
0x137: {  	v4, v5, _ =	vpop @!p1 (xrf1)  }
0x138: {  	s26 =	sadd.s32 $0x1, s26;
	s1 =	sadd.s32 $0x80, s1;
	v2 =	vpsel p1, v2, v4;
	v3 =	vpsel p1, v3, v5  }
.LBB2_25:
0x139: {  	_ =	sfence.sel $0x180000  }
0x13a: {  	[bflag:$0x0] =	sbarrier.arrive $0xFFFF  }
0x13b: {  	_ =	strace $0x9000004A  }
0x13c: {  	s0 =	stileid.u32;
	[bflag:$0x2] =	sbarrier.arrive $0xFFFF  }
0x13d: {  	p0 =	sne.s32 s0, $0x0;
	s0 =	rddreg [dreg:$0x2]  }
0x13e: {  	s0 =	sadd.s32 @!p0 $0x100000, s0  }
0x13f: {  	[sflag:s0] =	ssyncadd.tile.s32 @!p0 $0x1;
	_ =	shalt  }
.Lfunc_end2:
_tile_overlayer_lowered:
.L_overlay_start_2:
0x140: {  	(tag) =	ssettag $0x2  }
0x141: {  	s0 =	rddreg [dreg:$0x0];
	s2 =	stileid.u32  }
0x142: {  	s1 =	rddreg [dreg:$0x1];
	p0 =	sne.s32 s2, $0x0  }
0x143: {  	s3 =	rddreg [dreg:$0x2];
	[bflag:$0x3] =	sbarrier.arrive $0xFFFF;
	s2 =	simm.s32 @!p0 $0x1C03  }
0x144: {  	[timem:s3], [sflag:s2] =	dma.local @!p0 [hbm:s0], s1  }
0x145: {  	s0 =	simm.s32 @!p0 $0x3  }
0x146: {  	_ =	swait.ge @!p0 [sflag:s0], s1  }
0x147: {  	s1 =	ssub.s32 @!p0 $0x0, s1;
	[sflag:s0] =	ssyncset.done @!p0 $0x0  }
0x148: {  	[sflag:s0] =	ssyncadd.s32 @!p0 s1  }
0x149: {  	[bflag:$0x3] =	sbarrier.arrive $0xFFFF  }
0x14a: {  	_ =	shalt  }

</sc_bundles>
